<compile_context>
chip_gen: v7x
topology: tpu7x:2x2x1
jax: 0.10.2.dev20260603
libtpu: 0.0.44.dev20260713+nightly
codegen_flags: <defaults>
</compile_context>

<pallas_src>
import jax
import jax.numpy as jnp
from jax import lax
from jax.experimental import pallas as pl
from jax.experimental.pallas import tpu as pltpu
from jax.experimental.pallas import tpu_sc as plsc

SC_CORES = 2
SC_SUBCORES = 16
SC_WORKERS = SC_CORES * SC_SUBCORES
PAIRS_PER_W = 128

E = 8
K = 2
LB_COEFF = 0.01
BLK = 256


def _dispatch_body(e_all_hbm, off_hbm, x_hbm, xs_hbm, pos_hbm,
                   ids_v, idx_v, dst_v, pos_v, off_v, rows_v, sem):
    c = lax.axis_index("c")
    s = lax.axis_index("s")
    wid = s * SC_CORES + c
    pair_base = wid * PAIRS_PER_W
    half = SC_SUBCORES * PAIRS_PER_W
    tok_base = jnp.where(pair_base < half, pair_base, pair_base - half)
    lane = lax.iota(jnp.int32, 16)
    pltpu.sync_copy(e_all_hbm.at[pl.ds(pair_base, PAIRS_PER_W)], ids_v)
    pltpu.sync_copy(off_hbm.at[wid], off_v)

    def chunk(ci, carry):
        ids = ids_v[pl.ds(ci * 16, 16)]
        base_vec = off_v[...]
        dst = jnp.zeros((16,), jnp.int32)
        for e in range(E):
            m = ids == e
            mi = m.astype(jnp.int32)
            excl = jnp.cumsum(mi) - mi
            base_e = jnp.sum(jnp.where(lane == e, base_vec, 0))
            dst = jnp.where(m, base_e + excl, dst)
            cnt_e = jnp.sum(mi)
            base_vec = base_vec + jnp.where(lane == e, cnt_e, 0)
        off_v[...] = base_vec
        dst_v[...] = dst
        pos_v[pl.ds(ci * 16, 16)] = dst
        idx_v[...] = tok_base + ci * 16 + lane
        pltpu.async_copy(x_hbm.at[idx_v], rows_v, sem).wait()
        pltpu.async_copy(rows_v, xs_hbm.at[dst_v], sem).wait()
        return carry

    lax.fori_loop(0, PAIRS_PER_W // 16, chunk, 0)
    pltpu.sync_copy(pos_v, pos_hbm.at[pl.ds(pair_base, PAIRS_PER_W)])


def _routing_body(x_ref, gw_ref, i1_ref, i2_ref, p1_ref, p2_ref, psum_ref,
                  c1_ref, c2_ref):
    x = x_ref[...]
    gw = gw_ref[...]
    scores = jnp.dot(x, gw, preferred_element_type=jnp.float32)
    lane = jax.lax.broadcasted_iota(jnp.int32, scores.shape, 1)
    neg_inf = jnp.float32(-jnp.inf)
    scores = jnp.where(lane < E, scores, neg_inf)
    probs = jax.nn.softmax(scores, axis=-1)
    m1 = jnp.max(probs, axis=1, keepdims=True)
    i1 = jnp.min(jnp.where(probs == m1, lane, 128), axis=1, keepdims=True)
    probs2 = jnp.where(lane == i1, jnp.float32(-1.0), probs)
    m2 = jnp.max(probs2, axis=1, keepdims=True)
    i2 = jnp.min(jnp.where(probs2 == m2, lane, 128), axis=1, keepdims=True)
    e2 = jnp.exp(m2 - m1)
    denom = 1.0 + e2
    p1 = 1.0 / denom
    p2 = e2 / denom
    i1_ref[...] = i1
    i2_ref[...] = i2
    p1_ref[...] = p1
    p2_ref[...] = p2
    psum_ref[...] = jnp.sum(probs, axis=0)
    n_tok = x.shape[0]
    sel = (jax.lax.broadcasted_iota(jnp.int32, (16, n_tok), 1) // PAIRS_PER_W
           == jax.lax.broadcasted_iota(jnp.int32, (16, n_tok), 0)).astype(jnp.float32)
    oh1 = (lane == i1).astype(jnp.float32)
    oh2 = (lane == i2).astype(jnp.float32)
    c1_ref[...] = jnp.dot(sel, oh1, preferred_element_type=jnp.float32)
    c2_ref[...] = jnp.dot(sel, oh2, preferred_element_type=jnp.float32)


def _ffn_body(be_ref, slot_ref, chg_ref, nxt_ref, hasnx_ref, act_ref,
              x_ref, w1_hbm, b1_ref, w2_hbm, b2_ref, y_ref,
              w1b, w2b, sems):
    g = pl.program_id(0)
    slot = slot_ref[g]

    def start_load(e, s):
        pltpu.make_async_copy(w1_hbm.at[e], w1b.at[s], sems.at[s, 0]).start()
        pltpu.make_async_copy(w2_hbm.at[e], w2b.at[s], sems.at[s, 1]).start()

    def wait_load(e, s):
        pltpu.make_async_copy(w1_hbm.at[e], w1b.at[s], sems.at[s, 0]).wait()
        pltpu.make_async_copy(w2_hbm.at[e], w2b.at[s], sems.at[s, 1]).wait()

    @pl.when(g == 0)
    def _():
        start_load(be_ref[0], 0)

    @pl.when(chg_ref[g] == 1)
    def _():
        @pl.when(hasnx_ref[g] == 1)
        def _():
            start_load(nxt_ref[g], 1 - slot)

        wait_load(be_ref[g], slot)

    @pl.when(act_ref[g] > 0)
    def _():
        h1 = jnp.dot(x_ref[...], w1b[slot], preferred_element_type=jnp.float32)
        h1 = jnp.maximum(h1 + b1_ref[0], 0.0)
        y = jnp.dot(h1, w2b[slot], preferred_element_type=jnp.float32)
        y_ref[...] = y + b2_ref[0]


def kernel(x, gate_w, W1, b1, W2, b2):
    b, s, h = x.shape
    hd = W1.shape[-1]
    x_flat = x.reshape(-1, h)
    n = x_flat.shape[0]

    gw_pad = jnp.zeros((h, 128), jnp.float32).at[:, :E].set(gate_w)
    out_shapes = (
        jax.ShapeDtypeStruct((n, 1), jnp.int32),
        jax.ShapeDtypeStruct((n, 1), jnp.int32),
        jax.ShapeDtypeStruct((n, 1), jnp.float32),
        jax.ShapeDtypeStruct((n, 1), jnp.float32),
        jax.ShapeDtypeStruct((128,), jnp.float32),
        jax.ShapeDtypeStruct((16, 128), jnp.float32),
        jax.ShapeDtypeStruct((16, 128), jnp.float32),
    )
    i1b, i2b, p1b, p2b, psum, c1b, c2b = pl.pallas_call(
        _routing_body,
        out_shape=out_shapes,
    )(x_flat, gw_pad)
    p1, p2 = p1b[:, 0], p2b[:, 0]

    cnt_chunk = jnp.concatenate([c1b[:, :E], c2b[:, :E]]).astype(jnp.int32)
    counts = jnp.sum(cnt_chunk, axis=0)
    blocks_per_e = (counts + BLK - 1) // BLK
    cum_blocks = jnp.cumsum(blocks_per_e)
    pad_off = (cum_blocks - blocks_per_e) * BLK
    off = pad_off[None, :] + jnp.cumsum(cnt_chunk, axis=0) - cnt_chunk
    off_pad = jnp.zeros((SC_WORKERS, 16), jnp.int32).at[:, :E].set(off)

    G = (K * n) // BLK + E
    R = G * BLK
    total_active = cum_blocks[E - 1]
    g_ids = jnp.arange(G, dtype=jnp.int32)
    g_clamped = jnp.minimum(g_ids, total_active - 1)
    block_expert = jnp.searchsorted(cum_blocks, g_clamped, side="right").astype(jnp.int32)
    active = (g_ids < total_active).astype(jnp.int32)

    chg = jnp.concatenate([jnp.ones((1,), jnp.int32),
                           (block_expert[1:] != block_expert[:-1]).astype(jnp.int32)])
    phase = jnp.cumsum(chg) - 1
    slot = (phase % 2).astype(jnp.int32)
    nseg = phase[-1] + 1
    expert_by_seg = jnp.zeros((G,), jnp.int32).at[phase].set(block_expert)
    nxt = expert_by_seg[jnp.minimum(phase + 1, G - 1)].astype(jnp.int32)
    hasnx = (phase + 1 < nseg).astype(jnp.int32)

    e_all = jnp.concatenate([i1b[:, 0], i2b[:, 0]])
    mesh = plsc.VectorSubcoreMesh(core_axis_name="c", subcore_axis_name="s")
    dispatch = pl.kernel(
        _dispatch_body,
        out_type=(jax.ShapeDtypeStruct((R, h), jnp.float32),
                  jax.ShapeDtypeStruct((K * n,), jnp.int32)),
        mesh=mesh,
        compiler_params=pltpu.CompilerParams(needs_layout_passes=False),
        scratch_types=[
            pltpu.VMEM((PAIRS_PER_W,), jnp.int32),
            pltpu.VMEM((16,), jnp.int32),
            pltpu.VMEM((16,), jnp.int32),
            pltpu.VMEM((PAIRS_PER_W,), jnp.int32),
            pltpu.VMEM((16,), jnp.int32),
            pltpu.VMEM((16, h), jnp.float32),
            pltpu.SemaphoreType.DMA,
        ],
    )
    x_sorted, pos = dispatch(e_all, off_pad, x_flat)
    dst = pos

    grid_spec = pltpu.PrefetchScalarGridSpec(
        num_scalar_prefetch=6,
        grid=(G,),
        in_specs=[
            pl.BlockSpec((BLK, h), lambda g, *refs: (g, 0)),
            pl.BlockSpec(memory_space=pltpu.MemorySpace.HBM),
            pl.BlockSpec((1, 1, hd), lambda g, be, *refs: (be[g], 0, 0)),
            pl.BlockSpec(memory_space=pltpu.MemorySpace.HBM),
            pl.BlockSpec((1, 1, h), lambda g, be, *refs: (be[g], 0, 0)),
        ],
        out_specs=pl.BlockSpec((BLK, h), lambda g, *refs: (g, 0)),
        scratch_shapes=[
            pltpu.VMEM((2, h, hd), jnp.float32),
            pltpu.VMEM((2, hd, h), jnp.float32),
            pltpu.SemaphoreType.DMA((2, 2)),
        ],
    )
    y = pl.pallas_call(
        _ffn_body,
        grid_spec=grid_spec,
        out_shape=jax.ShapeDtypeStruct((R, h), jnp.float32),
        compiler_params=pltpu.CompilerParams(
            dimension_semantics=("arbitrary",),
            vmem_limit_bytes=120 * 1024 * 1024,
        ),
    )(block_expert, slot, chg, nxt, hasnx, active,
      x_sorted, W1, b1[:, None, :], W2, b2[:, None, :])

    pos1, pos2 = dst[:n], dst[n:]
    out = p1[:, None] * jnp.take(y, pos1, axis=0) + p2[:, None] * jnp.take(y, pos2, axis=0)
    out = out.reshape(b, s, h)

    expert_usage = psum[:E] / n
    log_input = jax.nn.log_softmax(expert_usage, axis=0)
    uniform = jnp.ones_like(expert_usage) / E
    kl = jnp.sum(uniform * (jnp.log(uniform) - log_input)) / E
    load_balance_loss = LB_COEFF * kl
    return out, load_balance_loss

# --- scband reference (transcript-rebuilt; emitter-appended) ---
"""Pipeline reference for scband-mixture-of-experts-layer-8538394984715 (READ-ONLY COPY).

The authoritative reference and input builder live on the scoring server;
editing this copy changes nothing except your own understanding.
"""

import jax, jax.numpy as jnp
import numpy as np

B, S, H = 1, 2048, 768
E = 8
K = 2
HD = 3072
LB_COEFF = 0.01


def setup_inputs(seed: int = 0) -> dict:
    key = jax.random.key(seed)
    ks = jax.random.split(key, 6)
    x = jax.random.normal(ks[0], (B, S, H), dtype=jnp.float32)
    # gate: nn.Linear(H, E, bias=False); stored as x @ gate_w with gate_w [H, E]
    gate_w = jax.random.normal(ks[1], (H, E), dtype=jnp.float32) * 0.02
    # experts: per-expert 2-layer MLP (Linear(H, HD) -> ReLU -> Dropout(eval=identity) -> Linear(HD, H))
    W1 = jax.random.normal(ks[2], (E, H, HD), dtype=jnp.float32) * 0.02
    b1 = jnp.zeros((E, HD), dtype=jnp.float32)
    W2 = jax.random.normal(ks[3], (E, HD, H), dtype=jnp.float32) * 0.02
    b2 = jnp.zeros((E, H), dtype=jnp.float32)
    return {"x": x, "gate_w": gate_w, "W1": W1, "b1": b1, "W2": W2, "b2": b2}


def reference(x, gate_w, W1, b1, W2, b2):
    b, s, h = x.shape
    x_flat = x.reshape(-1, h)
    gate_scores = x_flat @ gate_w
    gate_probs = jax.nn.softmax(gate_scores, axis=-1)
    top_k_probs, top_k_indices = jax.lax.top_k(gate_probs, K)
    top_k_probs = jax.nn.softmax(top_k_probs, axis=-1)
    # Combined per-expert weight. In eval mode (dropout=identity) this is exactly
    # equivalent to the original masked double loop: expert(x*mask) agrees with
    # expert(x) on every row where mask==1, and rows with mask==0 are multiplied
    # by zero before accumulation.
    w_e = jnp.zeros((x_flat.shape[0], E), dtype=x_flat.dtype)
    for i in range(K):
        w_e = w_e + top_k_probs[:, i][:, None] * jax.nn.one_hot(top_k_indices[:, i], E, dtype=x_flat.dtype)
    output = jnp.zeros_like(x_flat)
    for e in range(E):
        hdn = jax.nn.relu(x_flat @ W1[e] + b1[e])
        expert_out = hdn @ W2[e] + b2[e]
        output = output + expert_out * w_e[:, e:e + 1]
    output = output.reshape(b, s, h)
    # load balance loss: kl_div(log_softmax(mean gate probs), uniform, reduction='batchmean')
    expert_usage = gate_probs.mean(axis=0)
    log_input = jax.nn.log_softmax(expert_usage, axis=0)
    uniform = jnp.ones_like(expert_usage) / E
    kl = jnp.sum(uniform * (jnp.log(uniform) - log_input)) / E  # batchmean over dim-0 size E
    load_balance_loss = LB_COEFF * kl
    return output, load_balance_loss

if __name__ == "__main__":
    import jax
    _d = setup_inputs()
    print(jax.jit(kernel)(*tuple(_d.values())))

</pallas_src>

<mosaic_0001>
#map = affine_map<(d0, d1) -> (0)>
#map1 = affine_map<(d0, d1) -> (0, 0)>
module attributes {stable_mosaic.version = 14 : i64} {
  func.func @_dispatch_body(%arg0: i32, %arg1: i32, %arg2: memref<4096xi32, #tpu.memory_space<hbm>>, %arg3: memref<32x16xi32, #tpu.memory_space<hbm>>, %arg4: memref<2048x768xf32, #tpu.memory_space<hbm>>, %arg5: memref<6144x768xf32, #tpu.memory_space<hbm>>, %arg6: memref<4096xi32, #tpu.memory_space<hbm>>, %arg7: memref<128xi32, #tpu.memory_space<vmem>>, %arg8: memref<16xi32, #tpu.memory_space<vmem>>, %arg9: memref<16xi32, #tpu.memory_space<vmem>>, %arg10: memref<128xi32, #tpu.memory_space<vmem>>, %arg11: memref<16xi32, #tpu.memory_space<vmem>>, %arg12: memref<16x768xf32, #tpu.memory_space<vmem>>, %arg13: memref<!tpu.dma_semaphore, #tpu.memory_space<semaphore_mem>>) attributes {dimension_semantics = [#tpu.dimension_semantics<core_parallel>, #tpu.dimension_semantics<subcore_parallel>], iteration_bounds = array<i64: 2, 16>, scalar_prefetch = 0 : i64, scratch_operands = 7 : i64, tpu.core_type = #tpu.core_type<sc_vector_subcore>, window_params = [{transform_indices = #map}, {transform_indices = #map1}, {transform_indices = #map1}, {transform_indices = #map1}, {transform_indices = #map}]} {
    %mul3A = arith.constant 2 : i32
    %mul3A_0 = arith.muli %arg1, %mul3A : i32
    %add3A = arith.addi %mul3A_0, %arg0 : i32
    %mul3A_1 = arith.constant 128 : i32
    %mul3A_2 = arith.muli %add3A, %mul3A_1 : i32
    %lt3A = arith.constant 2048 : i32
    %lt3A_3 = arith.cmpi slt, %mul3A_2, %lt3A : i32
    %sub3A = arith.constant 2048 : i32
    %sub3A_4 = arith.subi %mul3A_2, %sub3A : i32
    %select_n3A = arith.select %lt3A_3, %mul3A_2, %sub3A_4 : i32
    %iota3A = tpu.iota {dimensions = array<i32: 0>} : vector<16xi32>
    "tpu.region"() ({
      %run_scoped3A = tpu.sem_alloc : memref<!tpu.dma_semaphore, #tpu.memory_space<semaphore_mem>>
      %dma_start3A = tpu.memref_slice %arg2[%mul3A_2] : memref<4096xi32, #tpu.memory_space<hbm>> -> memref<128xi32, #tpu.memory_space<hbm>>
      %dma_start3A_10 = tpu.memref_slice %arg2[%mul3A_2] : memref<4096xi32, #tpu.memory_space<hbm>> -> memref<128xi32, #tpu.memory_space<hbm>>
      tpu.enqueue_dma source(%dma_start3A_10 : memref<128xi32, #tpu.memory_space<hbm>>) target(%arg7 : memref<128xi32, #tpu.memory_space<vmem>>) target_semaphore(%run_scoped3A : memref<!tpu.dma_semaphore, #tpu.memory_space<semaphore_mem>>)
      %dma_wait3A = tpu.memref_slice %arg2[%mul3A_2] : memref<4096xi32, #tpu.memory_space<hbm>> -> memref<128xi32, #tpu.memory_space<hbm>>
      %dma_wait3A_11 = tpu.memref_slice %arg2[%mul3A_2] : memref<4096xi32, #tpu.memory_space<hbm>> -> memref<128xi32, #tpu.memory_space<hbm>>
      tpu.wait_dma2 semaphore(%run_scoped3A : memref<!tpu.dma_semaphore, #tpu.memory_space<semaphore_mem>>) src(%dma_wait3A_11 : memref<128xi32, #tpu.memory_space<hbm>>) dst(%arg7 : memref<128xi32, #tpu.memory_space<vmem>>)
      tpu.yield
    }) : () -> ()
    "tpu.region"() ({
      %run_scoped3A = tpu.sem_alloc : memref<!tpu.dma_semaphore, #tpu.memory_space<semaphore_mem>>
      %dma_start3A = arith.constant 0 : i32
      %dma_start3A_10 = tpu.memref_slice %arg3[%add3A, %dma_start3A] : memref<32x16xi32, #tpu.memory_space<hbm>> -> memref<1x16xi32, #tpu.memory_space<hbm>>
      %dma_start3A_11 = tpu.memref_squeeze %dma_start3A_10 : memref<1x16xi32, #tpu.memory_space<hbm>> -> memref<16xi32, #tpu.memory_space<hbm>>
      %dma_start3A_12 = arith.constant 0 : i32
      %dma_start3A_13 = tpu.memref_slice %arg3[%add3A, %dma_start3A_12] : memref<32x16xi32, #tpu.memory_space<hbm>> -> memref<1x16xi32, #tpu.memory_space<hbm>>
      %dma_start3A_14 = tpu.memref_squeeze %dma_start3A_13 : memref<1x16xi32, #tpu.memory_space<hbm>> -> memref<16xi32, #tpu.memory_space<hbm>>
      tpu.enqueue_dma source(%dma_start3A_14 : memref<16xi32, #tpu.memory_space<hbm>>) target(%arg11 : memref<16xi32, #tpu.memory_space<vmem>>) target_semaphore(%run_scoped3A : memref<!tpu.dma_semaphore, #tpu.memory_space<semaphore_mem>>)
      %dma_wait3A = arith.constant 0 : i32
      %dma_wait3A_15 = tpu.memref_slice %arg3[%add3A, %dma_wait3A] : memref<32x16xi32, #tpu.memory_space<hbm>> -> memref<1x16xi32, #tpu.memory_space<hbm>>
      %dma_wait3A_16 = tpu.memref_squeeze %dma_wait3A_15 : memref<1x16xi32, #tpu.memory_space<hbm>> -> memref<16xi32, #tpu.memory_space<hbm>>
      %dma_wait3A_17 = arith.constant 0 : i32
      %dma_wait3A_18 = tpu.memref_slice %arg3[%add3A, %dma_wait3A_17] : memref<32x16xi32, #tpu.memory_space<hbm>> -> memref<1x16xi32, #tpu.memory_space<hbm>>
      %dma_wait3A_19 = tpu.memref_squeeze %dma_wait3A_18 : memref<1x16xi32, #tpu.memory_space<hbm>> -> memref<16xi32, #tpu.memory_space<hbm>>
      tpu.wait_dma2 semaphore(%run_scoped3A : memref<!tpu.dma_semaphore, #tpu.memory_space<semaphore_mem>>) src(%dma_wait3A_19 : memref<16xi32, #tpu.memory_space<hbm>>) dst(%arg11 : memref<16xi32, #tpu.memory_space<vmem>>)
      tpu.yield
    }) : () -> ()
    %scan3A = arith.constant 0 : i32
    %scan3A_5 = arith.constant 0 : i32
    %scan3A_6 = arith.constant 8 : i32
    %scan3A_7 = arith.addi %scan3A_5, %scan3A_6 : i32
    %scan3A_8 = arith.constant 1 : i32
    scf.for %scan3A_10 = %scan3A_5 to %scan3A_7 step %scan3A_8  : i32 {
      %mul3A_11 = arith.constant 16 : i32
      %mul3A_12 = arith.muli %scan3A_10, %mul3A_11 : i32
      %get3A = arith.index_cast %mul3A_12 : i32 to index
      %get3A_13 = tpu.vector_load %arg7[%get3A] {strides = array<i32>} : memref<128xi32, #tpu.memory_space<vmem>>, vector<16xi32>,
      %get3A_14 = arith.constant 0 : index
      %get3A_15 = tpu.vector_load %arg11[%get3A_14] {strides = array<i32>} : memref<16xi32, #tpu.memory_space<vmem>>, vector<16xi32>,
      %broadcast_in_dim3A = arith.constant 0 : i32
      %broadcast_in_dim3A_16 = vector.broadcast %broadcast_in_dim3A : i32 to vector<16xi32>
      %eq3A = arith.constant 0 : i32
      %eq3A_17 = vector.broadcast %eq3A : i32 to vector<16xi32>
      %eq3A_18 = arith.cmpi eq, %get3A_13, %eq3A_17 : vector<16xi32>
      %convert_element_type3A = arith.extui %eq3A_18 : vector<16xi1> to vector<16xi32>
      %cumsum3A = arith.constant true
      %cumsum3A_19 = vector.broadcast %cumsum3A : i1 to vector<16xi1>
      %cumsum3A_20 = tpu.scan <sum>, %convert_element_type3A masked %cumsum3A_19 : vector<16xi32>, vector<16xi1> -> vector<16xi32>
      %sub3A_21 = arith.subi %cumsum3A_20, %convert_element_type3A : vector<16xi32>
      %eq3A_22 = arith.constant 0 : i32
      %eq3A_23 = vector.broadcast %eq3A_22 : i32 to vector<16xi32>
      %eq3A_24 = arith.cmpi eq, %iota3A, %eq3A_23 : vector<16xi32>
      %jit3A = arith.constant 0 : i32
      %broadcast_in_dim3A_25 = vector.broadcast %jit3A : i32 to vector<16xi32>
      %select_n3A_26 = arith.select %eq3A_24, %get3A_15, %broadcast_in_dim3A_25 : vector<16xi1>, vector<16xi32>
      %reduce_sum3A = arith.constant true
      %reduce_sum3A_27 = vector.broadcast %reduce_sum3A : i1 to vector<16xi1>
      %reduce_sum3A_28 = tpu.scan <sum>, %select_n3A_26 masked %reduce_sum3A_27 : vector<16xi32>, vector<16xi1> -> vector<16xi32>
      %reduce_sum3A_29 = vector.extract %reduce_sum3A_28[15] : i32 from vector<16xi32>
      %add3A_30 = vector.broadcast %reduce_sum3A_29 : i32 to vector<16xi32>
      %add3A_31 = arith.addi %add3A_30, %sub3A_21 : vector<16xi32>
      %select_n3A_32 = arith.select %eq3A_18, %add3A_31, %broadcast_in_dim3A_16 : vector<16xi1>, vector<16xi32>
      %reduce_sum3A_33 = arith.constant true
      %reduce_sum3A_34 = vector.broadcast %reduce_sum3A_33 : i1 to vector<16xi1>
      %reduce_sum3A_35 = tpu.scan <sum>, %convert_element_type3A masked %reduce_sum3A_34 : vector<16xi32>, vector<16xi1> -> vector<16xi32>
      %reduce_sum3A_36 = vector.extract %reduce_sum3A_35[15] : i32 from vector<16xi32>
      %eq3A_37 = arith.constant 0 : i32
      %eq3A_38 = vector.broadcast %eq3A_37 : i32 to vector<16xi32>
      %eq3A_39 = arith.cmpi eq, %iota3A, %eq3A_38 : vector<16xi32>
      %jit3A_40 = arith.constant 0 : i32
      %broadcast_in_dim3A_41 = vector.broadcast %reduce_sum3A_36 : i32 to vector<16xi32>
      %broadcast_in_dim3A_42 = vector.broadcast %jit3A_40 : i32 to vector<16xi32>
      %select_n3A_43 = arith.select %eq3A_39, %broadcast_in_dim3A_41, %broadcast_in_dim3A_42 : vector<16xi1>, vector<16xi32>
      %add3A_44 = arith.addi %get3A_15, %select_n3A_43 : vector<16xi32>
      %eq3A_45 = arith.constant 1 : i32
      %eq3A_46 = vector.broadcast %eq3A_45 : i32 to vector<16xi32>
      %eq3A_47 = arith.cmpi eq, %get3A_13, %eq3A_46 : vector<16xi32>
      %convert_element_type3A_48 = arith.extui %eq3A_47 : vector<16xi1> to vector<16xi32>
      %cumsum3A_49 = arith.constant true
      %cumsum3A_50 = vector.broadcast %cumsum3A_49 : i1 to vector<16xi1>
      %cumsum3A_51 = tpu.scan <sum>, %convert_element_type3A_48 masked %cumsum3A_50 : vector<16xi32>, vector<16xi1> -> vector<16xi32>
      %sub3A_52 = arith.subi %cumsum3A_51, %convert_element_type3A_48 : vector<16xi32>
      %eq3A_53 = arith.constant 1 : i32
      %eq3A_54 = vector.broadcast %eq3A_53 : i32 to vector<16xi32>
      %eq3A_55 = arith.cmpi eq, %iota3A, %eq3A_54 : vector<16xi32>
      %jit3A_56 = arith.constant 0 : i32
      %broadcast_in_dim3A_57 = vector.broadcast %jit3A_56 : i32 to vector<16xi32>
      %select_n3A_58 = arith.select %eq3A_55, %add3A_44, %broadcast_in_dim3A_57 : vector<16xi1>, vector<16xi32>
      %reduce_sum3A_59 = arith.constant true
      %reduce_sum3A_60 = vector.broadcast %reduce_sum3A_59 : i1 to vector<16xi1>
      %reduce_sum3A_61 = tpu.scan <sum>, %select_n3A_58 masked %reduce_sum3A_60 : vector<16xi32>, vector<16xi1> -> vector<16xi32>
      %reduce_sum3A_62 = vector.extract %reduce_sum3A_61[15] : i32 from vector<16xi32>
      %add3A_63 = vector.broadcast %reduce_sum3A_62 : i32 to vector<16xi32>
      %add3A_64 = arith.addi %add3A_63, %sub3A_52 : vector<16xi32>
      %select_n3A_65 = arith.select %eq3A_47, %add3A_64, %select_n3A_32 : vector<16xi1>, vector<16xi32>
      %reduce_sum3A_66 = arith.constant true
      %reduce_sum3A_67 = vector.broadcast %reduce_sum3A_66 : i1 to vector<16xi1>
      %reduce_sum3A_68 = tpu.scan <sum>, %convert_element_type3A_48 masked %reduce_sum3A_67 : vector<16xi32>, vector<16xi1> -> vector<16xi32>
      %reduce_sum3A_69 = vector.extract %reduce_sum3A_68[15] : i32 from vector<16xi32>
      %eq3A_70 = arith.constant 1 : i32
      %eq3A_71 = vector.broadcast %eq3A_70 : i32 to vector<16xi32>
      %eq3A_72 = arith.cmpi eq, %iota3A, %eq3A_71 : vector<16xi32>
      %jit3A_73 = arith.constant 0 : i32
      %broadcast_in_dim3A_74 = vector.broadcast %reduce_sum3A_69 : i32 to vector<16xi32>
      %broadcast_in_dim3A_75 = vector.broadcast %jit3A_73 : i32 to vector<16xi32>
      %select_n3A_76 = arith.select %eq3A_72, %broadcast_in_dim3A_74, %broadcast_in_dim3A_75 : vector<16xi1>, vector<16xi32>
      %add3A_77 = arith.addi %add3A_44, %select_n3A_76 : vector<16xi32>
      %eq3A_78 = arith.constant 2 : i32
      %eq3A_79 = vector.broadcast %eq3A_78 : i32 to vector<16xi32>
      %eq3A_80 = arith.cmpi eq, %get3A_13, %eq3A_79 : vector<16xi32>
      %convert_element_type3A_81 = arith.extui %eq3A_80 : vector<16xi1> to vector<16xi32>
      %cumsum3A_82 = arith.constant true
      %cumsum3A_83 = vector.broadcast %cumsum3A_82 : i1 to vector<16xi1>
      %cumsum3A_84 = tpu.scan <sum>, %convert_element_type3A_81 masked %cumsum3A_83 : vector<16xi32>, vector<16xi1> -> vector<16xi32>
      %sub3A_85 = arith.subi %cumsum3A_84, %convert_element_type3A_81 : vector<16xi32>
      %eq3A_86 = arith.constant 2 : i32
      %eq3A_87 = vector.broadcast %eq3A_86 : i32 to vector<16xi32>
      %eq3A_88 = arith.cmpi eq, %iota3A, %eq3A_87 : vector<16xi32>
      %jit3A_89 = arith.constant 0 : i32
      %broadcast_in_dim3A_90 = vector.broadcast %jit3A_89 : i32 to vector<16xi32>
      %select_n3A_91 = arith.select %eq3A_88, %add3A_77, %broadcast_in_dim3A_90 : vector<16xi1>, vector<16xi32>
      %reduce_sum3A_92 = arith.constant true
      %reduce_sum3A_93 = vector.broadcast %reduce_sum3A_92 : i1 to vector<16xi1>
      %reduce_sum3A_94 = tpu.scan <sum>, %select_n3A_91 masked %reduce_sum3A_93 : vector<16xi32>, vector<16xi1> -> vector<16xi32>
      %reduce_sum3A_95 = vector.extract %reduce_sum3A_94[15] : i32 from vector<16xi32>
      %add3A_96 = vector.broadcast %reduce_sum3A_95 : i32 to vector<16xi32>
      %add3A_97 = arith.addi %add3A_96, %sub3A_85 : vector<16xi32>
      %select_n3A_98 = arith.select %eq3A_80, %add3A_97, %select_n3A_65 : vector<16xi1>, vector<16xi32>
      %reduce_sum3A_99 = arith.constant true
      %reduce_sum3A_100 = vector.broadcast %reduce_sum3A_99 : i1 to vector<16xi1>
      %reduce_sum3A_101 = tpu.scan <sum>, %convert_element_type3A_81 masked %reduce_sum3A_100 : vector<16xi32>, vector<16xi1> -> vector<16xi32>
      %reduce_sum3A_102 = vector.extract %reduce_sum3A_101[15] : i32 from vector<16xi32>
      %eq3A_103 = arith.constant 2 : i32
      %eq3A_104 = vector.broadcast %eq3A_103 : i32 to vector<16xi32>
      %eq3A_105 = arith.cmpi eq, %iota3A, %eq3A_104 : vector<16xi32>
      %jit3A_106 = arith.constant 0 : i32
      %broadcast_in_dim3A_107 = vector.broadcast %reduce_sum3A_102 : i32 to vector<16xi32>
      %broadcast_in_dim3A_108 = vector.broadcast %jit3A_106 : i32 to vector<16xi32>
      %select_n3A_109 = arith.select %eq3A_105, %broadcast_in_dim3A_107, %broadcast_in_dim3A_108 : vector<16xi1>, vector<16xi32>
      %add3A_110 = arith.addi %add3A_77, %select_n3A_109 : vector<16xi32>
      %eq3A_111 = arith.constant 3 : i32
      %eq3A_112 = vector.broadcast %eq3A_111 : i32 to vector<16xi32>
      %eq3A_113 = arith.cmpi eq, %get3A_13, %eq3A_112 : vector<16xi32>
      %convert_element_type3A_114 = arith.extui %eq3A_113 : vector<16xi1> to vector<16xi32>
      %cumsum3A_115 = arith.constant true
      %cumsum3A_116 = vector.broadcast %cumsum3A_115 : i1 to vector<16xi1>
      %cumsum3A_117 = tpu.scan <sum>, %convert_element_type3A_114 masked %cumsum3A_116 : vector<16xi32>, vector<16xi1> -> vector<16xi32>
      %sub3A_118 = arith.subi %cumsum3A_117, %convert_element_type3A_114 : vector<16xi32>
      %eq3A_119 = arith.constant 3 : i32
      %eq3A_120 = vector.broadcast %eq3A_119 : i32 to vector<16xi32>
      %eq3A_121 = arith.cmpi eq, %iota3A, %eq3A_120 : vector<16xi32>
      %jit3A_122 = arith.constant 0 : i32
      %broadcast_in_dim3A_123 = vector.broadcast %jit3A_122 : i32 to vector<16xi32>
      %select_n3A_124 = arith.select %eq3A_121, %add3A_110, %broadcast_in_dim3A_123 : vector<16xi1>, vector<16xi32>
      %reduce_sum3A_125 = arith.constant true
      %reduce_sum3A_126 = vector.broadcast %reduce_sum3A_125 : i1 to vector<16xi1>
      %reduce_sum3A_127 = tpu.scan <sum>, %select_n3A_124 masked %reduce_sum3A_126 : vector<16xi32>, vector<16xi1> -> vector<16xi32>
      %reduce_sum3A_128 = vector.extract %reduce_sum3A_127[15] : i32 from vector<16xi32>
      %add3A_129 = vector.broadcast %reduce_sum3A_128 : i32 to vector<16xi32>
      %add3A_130 = arith.addi %add3A_129, %sub3A_118 : vector<16xi32>
      %select_n3A_131 = arith.select %eq3A_113, %add3A_130, %select_n3A_98 : vector<16xi1>, vector<16xi32>
      %reduce_sum3A_132 = arith.constant true
      %reduce_sum3A_133 = vector.broadcast %reduce_sum3A_132 : i1 to vector<16xi1>
      %reduce_sum3A_134 = tpu.scan <sum>, %convert_element_type3A_114 masked %reduce_sum3A_133 : vector<16xi32>, vector<16xi1> -> vector<16xi32>
      %reduce_sum3A_135 = vector.extract %reduce_sum3A_134[15] : i32 from vector<16xi32>
      %eq3A_136 = arith.constant 3 : i32
      %eq3A_137 = vector.broadcast %eq3A_136 : i32 to vector<16xi32>
      %eq3A_138 = arith.cmpi eq, %iota3A, %eq3A_137 : vector<16xi32>
      %jit3A_139 = arith.constant 0 : i32
      %broadcast_in_dim3A_140 = vector.broadcast %reduce_sum3A_135 : i32 to vector<16xi32>
      %broadcast_in_dim3A_141 = vector.broadcast %jit3A_139 : i32 to vector<16xi32>
      %select_n3A_142 = arith.select %eq3A_138, %broadcast_in_dim3A_140, %broadcast_in_dim3A_141 : vector<16xi1>, vector<16xi32>
      %add3A_143 = arith.addi %add3A_110, %select_n3A_142 : vector<16xi32>
      %eq3A_144 = arith.constant 4 : i32
      %eq3A_145 = vector.broadcast %eq3A_144 : i32 to vector<16xi32>
      %eq3A_146 = arith.cmpi eq, %get3A_13, %eq3A_145 : vector<16xi32>
      %convert_element_type3A_147 = arith.extui %eq3A_146 : vector<16xi1> to vector<16xi32>
      %cumsum3A_148 = arith.constant true
      %cumsum3A_149 = vector.broadcast %cumsum3A_148 : i1 to vector<16xi1>
      %cumsum3A_150 = tpu.scan <sum>, %convert_element_type3A_147 masked %cumsum3A_149 : vector<16xi32>, vector<16xi1> -> vector<16xi32>
      %sub3A_151 = arith.subi %cumsum3A_150, %convert_element_type3A_147 : vector<16xi32>
      %eq3A_152 = arith.constant 4 : i32
      %eq3A_153 = vector.broadcast %eq3A_152 : i32 to vector<16xi32>
      %eq3A_154 = arith.cmpi eq, %iota3A, %eq3A_153 : vector<16xi32>
      %jit3A_155 = arith.constant 0 : i32
      %broadcast_in_dim3A_156 = vector.broadcast %jit3A_155 : i32 to vector<16xi32>
      %select_n3A_157 = arith.select %eq3A_154, %add3A_143, %broadcast_in_dim3A_156 : vector<16xi1>, vector<16xi32>
      %reduce_sum3A_158 = arith.constant true
      %reduce_sum3A_159 = vector.broadcast %reduce_sum3A_158 : i1 to vector<16xi1>
      %reduce_sum3A_160 = tpu.scan <sum>, %select_n3A_157 masked %reduce_sum3A_159 : vector<16xi32>, vector<16xi1> -> vector<16xi32>
      %reduce_sum3A_161 = vector.extract %reduce_sum3A_160[15] : i32 from vector<16xi32>
      %add3A_162 = vector.broadcast %reduce_sum3A_161 : i32 to vector<16xi32>
      %add3A_163 = arith.addi %add3A_162, %sub3A_151 : vector<16xi32>
      %select_n3A_164 = arith.select %eq3A_146, %add3A_163, %select_n3A_131 : vector<16xi1>, vector<16xi32>
      %reduce_sum3A_165 = arith.constant true
      %reduce_sum3A_166 = vector.broadcast %reduce_sum3A_165 : i1 to vector<16xi1>
      %reduce_sum3A_167 = tpu.scan <sum>, %convert_element_type3A_147 masked %reduce_sum3A_166 : vector<16xi32>, vector<16xi1> -> vector<16xi32>
      %reduce_sum3A_168 = vector.extract %reduce_sum3A_167[15] : i32 from vector<16xi32>
      %eq3A_169 = arith.constant 4 : i32
      %eq3A_170 = vector.broadcast %eq3A_169 : i32 to vector<16xi32>
      %eq3A_171 = arith.cmpi eq, %iota3A, %eq3A_170 : vector<16xi32>
      %jit3A_172 = arith.constant 0 : i32
      %broadcast_in_dim3A_173 = vector.broadcast %reduce_sum3A_168 : i32 to vector<16xi32>
      %broadcast_in_dim3A_174 = vector.broadcast %jit3A_172 : i32 to vector<16xi32>
      %select_n3A_175 = arith.select %eq3A_171, %broadcast_in_dim3A_173, %broadcast_in_dim3A_174 : vector<16xi1>, vector<16xi32>
      %add3A_176 = arith.addi %add3A_143, %select_n3A_175 : vector<16xi32>
      %eq3A_177 = arith.constant 5 : i32
      %eq3A_178 = vector.broadcast %eq3A_177 : i32 to vector<16xi32>
      %eq3A_179 = arith.cmpi eq, %get3A_13, %eq3A_178 : vector<16xi32>
      %convert_element_type3A_180 = arith.extui %eq3A_179 : vector<16xi1> to vector<16xi32>
      %cumsum3A_181 = arith.constant true
      %cumsum3A_182 = vector.broadcast %cumsum3A_181 : i1 to vector<16xi1>
      %cumsum3A_183 = tpu.scan <sum>, %convert_element_type3A_180 masked %cumsum3A_182 : vector<16xi32>, vector<16xi1> -> vector<16xi32>
      %sub3A_184 = arith.subi %cumsum3A_183, %convert_element_type3A_180 : vector<16xi32>
      %eq3A_185 = arith.constant 5 : i32
      %eq3A_186 = vector.broadcast %eq3A_185 : i32 to vector<16xi32>
      %eq3A_187 = arith.cmpi eq, %iota3A, %eq3A_186 : vector<16xi32>
      %jit3A_188 = arith.constant 0 : i32
      %broadcast_in_dim3A_189 = vector.broadcast %jit3A_188 : i32 to vector<16xi32>
      %select_n3A_190 = arith.select %eq3A_187, %add3A_176, %broadcast_in_dim3A_189 : vector<16xi1>, vector<16xi32>
      %reduce_sum3A_191 = arith.constant true
      %reduce_sum3A_192 = vector.broadcast %reduce_sum3A_191 : i1 to vector<16xi1>
      %reduce_sum3A_193 = tpu.scan <sum>, %select_n3A_190 masked %reduce_sum3A_192 : vector<16xi32>, vector<16xi1> -> vector<16xi32>
      %reduce_sum3A_194 = vector.extract %reduce_sum3A_193[15] : i32 from vector<16xi32>
      %add3A_195 = vector.broadcast %reduce_sum3A_194 : i32 to vector<16xi32>
      %add3A_196 = arith.addi %add3A_195, %sub3A_184 : vector<16xi32>
      %select_n3A_197 = arith.select %eq3A_179, %add3A_196, %select_n3A_164 : vector<16xi1>, vector<16xi32>
      %reduce_sum3A_198 = arith.constant true
      %reduce_sum3A_199 = vector.broadcast %reduce_sum3A_198 : i1 to vector<16xi1>
      %reduce_sum3A_200 = tpu.scan <sum>, %convert_element_type3A_180 masked %reduce_sum3A_199 : vector<16xi32>, vector<16xi1> -> vector<16xi32>
      %reduce_sum3A_201 = vector.extract %reduce_sum3A_200[15] : i32 from vector<16xi32>
      %eq3A_202 = arith.constant 5 : i32
      %eq3A_203 = vector.broadcast %eq3A_202 : i32 to vector<16xi32>
      %eq3A_204 = arith.cmpi eq, %iota3A, %eq3A_203 : vector<16xi32>
      %jit3A_205 = arith.constant 0 : i32
      %broadcast_in_dim3A_206 = vector.broadcast %reduce_sum3A_201 : i32 to vector<16xi32>
      %broadcast_in_dim3A_207 = vector.broadcast %jit3A_205 : i32 to vector<16xi32>
      %select_n3A_208 = arith.select %eq3A_204, %broadcast_in_dim3A_206, %broadcast_in_dim3A_207 : vector<16xi1>, vector<16xi32>
      %add3A_209 = arith.addi %add3A_176, %select_n3A_208 : vector<16xi32>
      %eq3A_210 = arith.constant 6 : i32
      %eq3A_211 = vector.broadcast %eq3A_210 : i32 to vector<16xi32>
      %eq3A_212 = arith.cmpi eq, %get3A_13, %eq3A_211 : vector<16xi32>
      %convert_element_type3A_213 = arith.extui %eq3A_212 : vector<16xi1> to vector<16xi32>
      %cumsum3A_214 = arith.constant true
      %cumsum3A_215 = vector.broadcast %cumsum3A_214 : i1 to vector<16xi1>
      %cumsum3A_216 = tpu.scan <sum>, %convert_element_type3A_213 masked %cumsum3A_215 : vector<16xi32>, vector<16xi1> -> vector<16xi32>
      %sub3A_217 = arith.subi %cumsum3A_216, %convert_element_type3A_213 : vector<16xi32>
      %eq3A_218 = arith.constant 6 : i32
      %eq3A_219 = vector.broadcast %eq3A_218 : i32 to vector<16xi32>
      %eq3A_220 = arith.cmpi eq, %iota3A, %eq3A_219 : vector<16xi32>
      %jit3A_221 = arith.constant 0 : i32
      %broadcast_in_dim3A_222 = vector.broadcast %jit3A_221 : i32 to vector<16xi32>
      %select_n3A_223 = arith.select %eq3A_220, %add3A_209, %broadcast_in_dim3A_222 : vector<16xi1>, vector<16xi32>
      %reduce_sum3A_224 = arith.constant true
      %reduce_sum3A_225 = vector.broadcast %reduce_sum3A_224 : i1 to vector<16xi1>
      %reduce_sum3A_226 = tpu.scan <sum>, %select_n3A_223 masked %reduce_sum3A_225 : vector<16xi32>, vector<16xi1> -> vector<16xi32>
      %reduce_sum3A_227 = vector.extract %reduce_sum3A_226[15] : i32 from vector<16xi32>
      %add3A_228 = vector.broadcast %reduce_sum3A_227 : i32 to vector<16xi32>
      %add3A_229 = arith.addi %add3A_228, %sub3A_217 : vector<16xi32>
      %select_n3A_230 = arith.select %eq3A_212, %add3A_229, %select_n3A_197 : vector<16xi1>, vector<16xi32>
      %reduce_sum3A_231 = arith.constant true
      %reduce_sum3A_232 = vector.broadcast %reduce_sum3A_231 : i1 to vector<16xi1>
      %reduce_sum3A_233 = tpu.scan <sum>, %convert_element_type3A_213 masked %reduce_sum3A_232 : vector<16xi32>, vector<16xi1> -> vector<16xi32>
      %reduce_sum3A_234 = vector.extract %reduce_sum3A_233[15] : i32 from vector<16xi32>
      %eq3A_235 = arith.constant 6 : i32
      %eq3A_236 = vector.broadcast %eq3A_235 : i32 to vector<16xi32>
      %eq3A_237 = arith.cmpi eq, %iota3A, %eq3A_236 : vector<16xi32>
      %jit3A_238 = arith.constant 0 : i32
      %broadcast_in_dim3A_239 = vector.broadcast %reduce_sum3A_234 : i32 to vector<16xi32>
      %broadcast_in_dim3A_240 = vector.broadcast %jit3A_238 : i32 to vector<16xi32>
      %select_n3A_241 = arith.select %eq3A_237, %broadcast_in_dim3A_239, %broadcast_in_dim3A_240 : vector<16xi1>, vector<16xi32>
      %add3A_242 = arith.addi %add3A_209, %select_n3A_241 : vector<16xi32>
      %eq3A_243 = arith.constant 7 : i32
      %eq3A_244 = vector.broadcast %eq3A_243 : i32 to vector<16xi32>
      %eq3A_245 = arith.cmpi eq, %get3A_13, %eq3A_244 : vector<16xi32>
      %convert_element_type3A_246 = arith.extui %eq3A_245 : vector<16xi1> to vector<16xi32>
      %cumsum3A_247 = arith.constant true
      %cumsum3A_248 = vector.broadcast %cumsum3A_247 : i1 to vector<16xi1>
      %cumsum3A_249 = tpu.scan <sum>, %convert_element_type3A_246 masked %cumsum3A_248 : vector<16xi32>, vector<16xi1> -> vector<16xi32>
      %sub3A_250 = arith.subi %cumsum3A_249, %convert_element_type3A_246 : vector<16xi32>
      %eq3A_251 = arith.constant 7 : i32
      %eq3A_252 = vector.broadcast %eq3A_251 : i32 to vector<16xi32>
      %eq3A_253 = arith.cmpi eq, %iota3A, %eq3A_252 : vector<16xi32>
      %jit3A_254 = arith.constant 0 : i32
      %broadcast_in_dim3A_255 = vector.broadcast %jit3A_254 : i32 to vector<16xi32>
      %select_n3A_256 = arith.select %eq3A_253, %add3A_242, %broadcast_in_dim3A_255 : vector<16xi1>, vector<16xi32>
      %reduce_sum3A_257 = arith.constant true
      %reduce_sum3A_258 = vector.broadcast %reduce_sum3A_257 : i1 to vector<16xi1>
      %reduce_sum3A_259 = tpu.scan <sum>, %select_n3A_256 masked %reduce_sum3A_258 : vector<16xi32>, vector<16xi1> -> vector<16xi32>
      %reduce_sum3A_260 = vector.extract %reduce_sum3A_259[15] : i32 from vector<16xi32>
      %add3A_261 = vector.broadcast %reduce_sum3A_260 : i32 to vector<16xi32>
      %add3A_262 = arith.addi %add3A_261, %sub3A_250 : vector<16xi32>
      %select_n3A_263 = arith.select %eq3A_245, %add3A_262, %select_n3A_230 : vector<16xi1>, vector<16xi32>
      %reduce_sum3A_264 = arith.constant true
      %reduce_sum3A_265 = vector.broadcast %reduce_sum3A_264 : i1 to vector<16xi1>
      %reduce_sum3A_266 = tpu.scan <sum>, %convert_element_type3A_246 masked %reduce_sum3A_265 : vector<16xi32>, vector<16xi1> -> vector<16xi32>
      %reduce_sum3A_267 = vector.extract %reduce_sum3A_266[15] : i32 from vector<16xi32>
      %eq3A_268 = arith.constant 7 : i32
      %eq3A_269 = vector.broadcast %eq3A_268 : i32 to vector<16xi32>
      %eq3A_270 = arith.cmpi eq, %iota3A, %eq3A_269 : vector<16xi32>
      %jit3A_271 = arith.constant 0 : i32
      %broadcast_in_dim3A_272 = vector.broadcast %reduce_sum3A_267 : i32 to vector<16xi32>
      %broadcast_in_dim3A_273 = vector.broadcast %jit3A_271 : i32 to vector<16xi32>
      %select_n3A_274 = arith.select %eq3A_270, %broadcast_in_dim3A_272, %broadcast_in_dim3A_273 : vector<16xi1>, vector<16xi32>
      %add3A_275 = arith.addi %add3A_242, %select_n3A_274 : vector<16xi32>
      %swap3A = arith.constant 0 : index
      %swap3A_276 = tpu.vector_load %arg11[%swap3A] {strides = array<i32>} : memref<16xi32, #tpu.memory_space<vmem>>, vector<16xi32>,
      tpu.vector_store %arg11[%swap3A], %add3A_275 {strides = array<i32>} : memref<16xi32, #tpu.memory_space<vmem>>, vector<16xi32>,
      %swap3A_277 = arith.constant 0 : index
      %swap3A_278 = tpu.vector_load %arg9[%swap3A_277] {strides = array<i32>} : memref<16xi32, #tpu.memory_space<vmem>>, vector<16xi32>,
      tpu.vector_store %arg9[%swap3A_277], %select_n3A_263 {strides = array<i32>} : memref<16xi32, #tpu.memory_space<vmem>>, vector<16xi32>,
      %mul3A_279 = arith.constant 16 : i32
      %mul3A_280 = arith.muli %scan3A_10, %mul3A_279 : i32
      %swap3A_281 = arith.index_cast %mul3A_280 : i32 to index
      %swap3A_282 = tpu.vector_load %arg10[%swap3A_281] {strides = array<i32>} : memref<128xi32, #tpu.memory_space<vmem>>, vector<16xi32>,
      tpu.vector_store %arg10[%swap3A_281], %select_n3A_263 {strides = array<i32>} : memref<128xi32, #tpu.memory_space<vmem>>, vector<16xi32>,
      %mul3A_283 = arith.constant 16 : i32
      %mul3A_284 = arith.muli %scan3A_10, %mul3A_283 : i32
      %add3A_285 = arith.addi %select_n3A, %mul3A_284 : i32
      %add3A_286 = vector.broadcast %add3A_285 : i32 to vector<16xi32>
      %add3A_287 = arith.addi %add3A_286, %iota3A : vector<16xi32>
      %swap3A_288 = arith.constant 0 : index
      %swap3A_289 = tpu.vector_load %arg8[%swap3A_288] {strides = array<i32>} : memref<16xi32, #tpu.memory_space<vmem>>, vector<16xi32>,
      tpu.vector_store %arg8[%swap3A_288], %add3A_287 {strides = array<i32>} : memref<16xi32, #tpu.memory_space<vmem>>, vector<16xi32>,
      %dma_start3A = arith.constant 0 : i32
      %dma_start3A_290 = arith.constant 0 : i32
      %dma_start3A_291 = tpu.memref_slice %arg4[%dma_start3A, %dma_start3A_290] : memref<2048x768xf32, #tpu.memory_space<hbm>> -> memref<2048x768xf32, #tpu.memory_space<hbm>>
      tpu.enqueue_indirect_dma source(%dma_start3A_291 : memref<2048x768xf32, #tpu.memory_space<hbm>>) target(%arg12 : memref<16x768xf32, #tpu.memory_space<vmem>>) offsets(%arg8 : memref<16xi32, #tpu.memory_space<vmem>>) semaphore(%arg13 : memref<!tpu.dma_semaphore, #tpu.memory_space<semaphore_mem>>)
      %dma_wait3A = arith.constant 0 : i32
      %dma_wait3A_292 = arith.constant 0 : i32
      %dma_wait3A_293 = tpu.memref_slice %arg4[%dma_wait3A, %dma_wait3A_292] : memref<2048x768xf32, #tpu.memory_space<hbm>> -> memref<2048x768xf32, #tpu.memory_space<hbm>>
      tpu.wait_indirect_dma semaphore(%arg13 : memref<!tpu.dma_semaphore, #tpu.memory_space<semaphore_mem>>) src(%dma_wait3A_293 : memref<2048x768xf32, #tpu.memory_space<hbm>>) dst(%arg12 : memref<16x768xf32, #tpu.memory_space<vmem>>)
      %dma_start3A_294 = arith.constant 0 : i32
      %dma_start3A_295 = arith.constant 0 : i32
      %dma_start3A_296 = tpu.memref_slice %arg5[%dma_start3A_294, %dma_start3A_295] : memref<6144x768xf32, #tpu.memory_space<hbm>> -> memref<6144x768xf32, #tpu.memory_space<hbm>>
      tpu.enqueue_indirect_dma source(%arg12 : memref<16x768xf32, #tpu.memory_space<vmem>>) target(%dma_start3A_296 : memref<6144x768xf32, #tpu.memory_space<hbm>>) offsets(%arg9 : memref<16xi32, #tpu.memory_space<vmem>>) semaphore(%arg13 : memref<!tpu.dma_semaphore, #tpu.memory_space<semaphore_mem>>)
      %dma_wait3A_297 = arith.constant 0 : i32
      %dma_wait3A_298 = arith.constant 0 : i32
      %dma_wait3A_299 = tpu.memref_slice %arg5[%dma_wait3A_297, %dma_wait3A_298] : memref<6144x768xf32, #tpu.memory_space<hbm>> -> memref<6144x768xf32, #tpu.memory_space<hbm>>
      tpu.wait_indirect_dma semaphore(%arg13 : memref<!tpu.dma_semaphore, #tpu.memory_space<semaphore_mem>>) src(%arg12 : memref<16x768xf32, #tpu.memory_space<vmem>>) dst(%dma_wait3A_299 : memref<6144x768xf32, #tpu.memory_space<hbm>>)
    }
    %scan3A_9 = arith.constant 8 : i32
    "tpu.region"() ({
      %run_scoped3A = tpu.sem_alloc : memref<!tpu.dma_semaphore, #tpu.memory_space<semaphore_mem>>
      %dma_start3A = tpu.memref_slice %arg6[%mul3A_2] : memref<4096xi32, #tpu.memory_space<hbm>> -> memref<128xi32, #tpu.memory_space<hbm>>
      %dma_start3A_10 = tpu.memref_slice %arg6[%mul3A_2] : memref<4096xi32, #tpu.memory_space<hbm>> -> memref<128xi32, #tpu.memory_space<hbm>>
      tpu.enqueue_dma source(%arg10 : memref<128xi32, #tpu.memory_space<vmem>>) target(%dma_start3A_10 : memref<128xi32, #tpu.memory_space<hbm>>) target_semaphore(%run_scoped3A : memref<!tpu.dma_semaphore, #tpu.memory_space<semaphore_mem>>)
      %dma_wait3A = tpu.memref_slice %arg6[%mul3A_2] : memref<4096xi32, #tpu.memory_space<hbm>> -> memref<128xi32, #tpu.memory_space<hbm>>
      %dma_wait3A_11 = tpu.memref_slice %arg6[%mul3A_2] : memref<4096xi32, #tpu.memory_space<hbm>> -> memref<128xi32, #tpu.memory_space<hbm>>
      tpu.wait_dma2 semaphore(%run_scoped3A : memref<!tpu.dma_semaphore, #tpu.memory_space<semaphore_mem>>) src(%arg10 : memref<128xi32, #tpu.memory_space<vmem>>) dst(%dma_wait3A_11 : memref<128xi32, #tpu.memory_space<hbm>>)
      tpu.yield
    }) : () -> ()
    return
  }
}

module attributes {stable_mosaic.version = 14 : i64} {
  func.func @_routing_body(%arg0: memref<2048x768xf32, #tpu.memory_space<vmem>>, %arg1: memref<768x128xf32, #tpu.memory_space<vmem>>, %arg2: memref<2048x1xi32, #tpu.memory_space<vmem>>, %arg3: memref<2048x1xi32, #tpu.memory_space<vmem>>, %arg4: memref<2048x1xf32, #tpu.memory_space<vmem>>, %arg5: memref<2048x1xf32, #tpu.memory_space<vmem>>, %arg6: memref<128xf32, #tpu.memory_space<vmem>>, %arg7: memref<16x128xf32, #tpu.memory_space<vmem>>, %arg8: memref<16x128xf32, #tpu.memory_space<vmem>>) attributes {dimension_semantics = [], scalar_prefetch = 0 : i64, scratch_operands = 0 : i64, tpu.core_type = #tpu.core_type<tc>} {
    %get3A = arith.constant 0 : index
    %get3A_0 = arith.constant 0 : index
    %get3A_1 = vector.load %arg0[%get3A, %get3A_0] : memref<2048x768xf32, #tpu.memory_space<vmem>>, vector<2048x768xf32>
    %get3A_2 = arith.constant 0 : index
    %get3A_3 = arith.constant 0 : index
    %get3A_4 = vector.load %arg1[%get3A_2, %get3A_3] : memref<768x128xf32, #tpu.memory_space<vmem>>, vector<768x128xf32>
    %dot_general3A = arith.constant dense<0.000000e+00> : vector<2048x128xf32>
    %dot_general3A_5 = tpu.matmul %get3A_1, %get3A_4, %dot_general3A {dimension_numbers = #tpu.dot_dimension_numbers<[1], [0], [0], [1], [0, 0, 1, 1], [], []>, transpose_lhs_hint = false} : vector<2048x768xf32>, vector<768x128xf32>, vector<2048x128xf32> -> vector<2048x128xf32>
    %iota3A = tpu.iota {dimensions = array<i32: 1>} : vector<2048x128xi32>
    %lt3A = arith.constant 8 : i32
    %lt3A_6 = vector.broadcast %lt3A : i32 to vector<2048x128xi32>
    %lt3A_7 = arith.cmpi slt, %iota3A, %lt3A_6 : vector<2048x128xi32>
    %jit3A = arith.constant 0xFF800000 : f32
    %broadcast_in_dim3A = vector.broadcast %jit3A : f32 to vector<2048x128xf32>
    %select_n3A = arith.select %lt3A_7, %dot_general3A_5, %broadcast_in_dim3A : vector<2048x128xi1>, vector<2048x128xf32>
    %reduce_max3A = arith.constant dense<0xFF800000> : vector<2048xf32>
    %reduce_max3A_8 = vector.multi_reduction <maximumf>, %select_n3A, %reduce_max3A [1] : vector<2048x128xf32> to vector<2048xf32>
    %max3A = arith.constant 0xFF800000 : f32
    %max3A_9 = vector.broadcast %max3A : f32 to vector<2048xf32>
    %max3A_10 = arith.maximumf %max3A_9, %reduce_max3A_8 : vector<2048xf32>
    %broadcast_in_dim3A_11 = vector.shape_cast %max3A_10 : vector<2048xf32> to vector<2048x1xf32>
    %sub3A = vector.broadcast %broadcast_in_dim3A_11 : vector<2048x1xf32> to vector<2048x128xf32>
    %sub3A_12 = arith.subf %select_n3A, %sub3A : vector<2048x128xf32>
    %exp3A = math.exp %sub3A_12 : vector<2048x128xf32>
    %reduce_sum3A = arith.constant dense<0.000000e+00> : vector<2048xf32>
    %reduce_sum3A_13 = vector.multi_reduction <add>, %exp3A, %reduce_sum3A [1] : vector<2048x128xf32> to vector<2048xf32>
    %broadcast_in_dim3A_14 = vector.shape_cast %reduce_sum3A_13 : vector<2048xf32> to vector<2048x1xf32>
    %div3A = vector.broadcast %broadcast_in_dim3A_14 : vector<2048x1xf32> to vector<2048x128xf32>
    %div3A_15 = arith.divf %exp3A, %div3A : vector<2048x128xf32>
    %reduce_max3A_16 = arith.constant dense<0xFF800000> : vector<2048xf32>
    %reduce_max3A_17 = vector.multi_reduction <maximumf>, %div3A_15, %reduce_max3A_16 [1] : vector<2048x128xf32> to vector<2048xf32>
    %broadcast_in_dim3A_18 = vector.shape_cast %reduce_max3A_17 : vector<2048xf32> to vector<2048x1xf32>
    %eq3A = vector.broadcast %broadcast_in_dim3A_18 : vector<2048x1xf32> to vector<2048x128xf32>
    %eq3A_19 = arith.cmpf oeq, %div3A_15, %eq3A : vector<2048x128xf32>
    %jit3A_20 = arith.constant 128 : i32
    %broadcast_in_dim3A_21 = vector.broadcast %jit3A_20 : i32 to vector<2048x128xi32>
    %select_n3A_22 = arith.select %eq3A_19, %iota3A, %broadcast_in_dim3A_21 : vector<2048x128xi1>, vector<2048x128xi32>
    %reduce_min3A = arith.constant dense<2147483647> : vector<2048xi32>
    %reduce_min3A_23 = vector.multi_reduction <minsi>, %select_n3A_22, %reduce_min3A [1] : vector<2048x128xi32> to vector<2048xi32>
    %broadcast_in_dim3A_24 = vector.shape_cast %reduce_min3A_23 : vector<2048xi32> to vector<2048x1xi32>
    %eq3A_25 = vector.broadcast %broadcast_in_dim3A_24 : vector<2048x1xi32> to vector<2048x128xi32>
    %eq3A_26 = arith.cmpi eq, %iota3A, %eq3A_25 : vector<2048x128xi32>
    %jit3A_27 = arith.constant -1.000000e+00 : f32
    %broadcast_in_dim3A_28 = vector.broadcast %jit3A_27 : f32 to vector<2048x128xf32>
    %select_n3A_29 = arith.select %eq3A_26, %broadcast_in_dim3A_28, %div3A_15 : vector<2048x128xi1>, vector<2048x128xf32>
    %reduce_max3A_30 = arith.constant dense<0xFF800000> : vector<2048xf32>
    %reduce_max3A_31 = vector.multi_reduction <maximumf>, %select_n3A_29, %reduce_max3A_30 [1] : vector<2048x128xf32> to vector<2048xf32>
    %broadcast_in_dim3A_32 = vector.shape_cast %reduce_max3A_31 : vector<2048xf32> to vector<2048x1xf32>
    %eq3A_33 = vector.broadcast %broadcast_in_dim3A_32 : vector<2048x1xf32> to vector<2048x128xf32>
    %eq3A_34 = arith.cmpf oeq, %select_n3A_29, %eq3A_33 : vector<2048x128xf32>
    %jit3A_35 = arith.constant 128 : i32
    %broadcast_in_dim3A_36 = vector.broadcast %jit3A_35 : i32 to vector<2048x128xi32>
    %select_n3A_37 = arith.select %eq3A_34, %iota3A, %broadcast_in_dim3A_36 : vector<2048x128xi1>, vector<2048x128xi32>
    %reduce_min3A_38 = arith.constant dense<2147483647> : vector<2048xi32>
    %reduce_min3A_39 = vector.multi_reduction <minsi>, %select_n3A_37, %reduce_min3A_38 [1] : vector<2048x128xi32> to vector<2048xi32>
    %broadcast_in_dim3A_40 = vector.shape_cast %reduce_min3A_39 : vector<2048xi32> to vector<2048x1xi32>
    %sub3A_41 = arith.subf %broadcast_in_dim3A_32, %broadcast_in_dim3A_18 : vector<2048x1xf32>
    %exp3A_42 = math.exp %sub3A_41 : vector<2048x1xf32>
    %add3A = arith.constant 1.000000e+00 : f32
    %add3A_43 = vector.broadcast %add3A : f32 to vector<2048x1xf32>
    %add3A_44 = arith.addf %add3A_43, %exp3A_42 : vector<2048x1xf32>
    %div3A_45 = arith.constant 1.000000e+00 : f32
    %div3A_46 = vector.broadcast %div3A_45 : f32 to vector<2048x1xf32>
    %div3A_47 = arith.divf %div3A_46, %add3A_44 : vector<2048x1xf32>
    %div3A_48 = arith.divf %exp3A_42, %add3A_44 : vector<2048x1xf32>
    %swap3A = arith.constant 0 : index
    %swap3A_49 = arith.constant 0 : index
    %swap3A_50 = vector.load %arg2[%swap3A, %swap3A_49] : memref<2048x1xi32, #tpu.memory_space<vmem>>, vector<2048x1xi32>
    tpu.vector_store %arg2[%swap3A, %swap3A_49], %broadcast_in_dim3A_24 {strides = array<i32>} : memref<2048x1xi32, #tpu.memory_space<vmem>>, vector<2048x1xi32>,
    %swap3A_51 = arith.constant 0 : index
    %swap3A_52 = arith.constant 0 : index
    %swap3A_53 = vector.load %arg3[%swap3A_51, %swap3A_52] : memref<2048x1xi32, #tpu.memory_space<vmem>>, vector<2048x1xi32>
    tpu.vector_store %arg3[%swap3A_51, %swap3A_52], %broadcast_in_dim3A_40 {strides = array<i32>} : memref<2048x1xi32, #tpu.memory_space<vmem>>, vector<2048x1xi32>,
    %swap3A_54 = arith.constant 0 : index
    %swap3A_55 = arith.constant 0 : index
    %swap3A_56 = vector.load %arg4[%swap3A_54, %swap3A_55] : memref<2048x1xf32, #tpu.memory_space<vmem>>, vector<2048x1xf32>
    tpu.vector_store %arg4[%swap3A_54, %swap3A_55], %div3A_47 {strides = array<i32>} : memref<2048x1xf32, #tpu.memory_space<vmem>>, vector<2048x1xf32>,
    %swap3A_57 = arith.constant 0 : index
    %swap3A_58 = arith.constant 0 : index
    %swap3A_59 = vector.load %arg5[%swap3A_57, %swap3A_58] : memref<2048x1xf32, #tpu.memory_space<vmem>>, vector<2048x1xf32>
    tpu.vector_store %arg5[%swap3A_57, %swap3A_58], %div3A_48 {strides = array<i32>} : memref<2048x1xf32, #tpu.memory_space<vmem>>, vector<2048x1xf32>,
    %reduce_sum3A_60 = arith.constant dense<0.000000e+00> : vector<128xf32>
    %reduce_sum3A_61 = vector.multi_reduction <add>, %div3A_15, %reduce_sum3A_60 [0] : vector<2048x128xf32> to vector<128xf32>
    %swap3A_62 = arith.constant 0 : index
    %swap3A_63 = vector.load %arg6[%swap3A_62] : memref<128xf32, #tpu.memory_space<vmem>>, vector<128xf32>
    tpu.vector_store %arg6[%swap3A_62], %reduce_sum3A_61 {strides = array<i32>} : memref<128xf32, #tpu.memory_space<vmem>>, vector<128xf32>,
    %iota3A_64 = tpu.iota {dimensions = array<i32: 1>} : vector<16x2048xi32>
    %jit3A_65 = arith.constant 128 : i32
    %div3A_66 = vector.broadcast %jit3A_65 : i32 to vector<16x2048xi32>
    %div3A_67 = arith.divsi %iota3A_64, %div3A_66 : vector<16x2048xi32>
    %sign3A = arith.constant 0 : i32
    %sign3A_68 = vector.broadcast %sign3A : i32 to vector<16x2048xi32>
    %sign3A_69 = arith.cmpi sgt, %iota3A_64, %sign3A_68 : vector<16x2048xi32>
    %sign3A_70 = arith.extui %sign3A_69 : vector<16x2048xi1> to vector<16x2048xi32>
    %sign3A_71 = arith.constant 0 : i32
    %sign3A_72 = vector.broadcast %sign3A_71 : i32 to vector<16x2048xi32>
    %sign3A_73 = arith.cmpi slt, %iota3A_64, %sign3A_72 : vector<16x2048xi32>
    %sign3A_74 = arith.extui %sign3A_73 : vector<16x2048xi1> to vector<16x2048xi32>
    %sign3A_75 = arith.subi %sign3A_70, %sign3A_74 : vector<16x2048xi32>
    %sign3A_76 = arith.constant 0 : i32
    %sign3A_77 = arith.cmpi sgt, %jit3A_65, %sign3A_76 : i32
    %sign3A_78 = arith.extui %sign3A_77 : i1 to i32
    %sign3A_79 = arith.constant 0 : i32
    %sign3A_80 = arith.cmpi slt, %jit3A_65, %sign3A_79 : i32
    %sign3A_81 = arith.extui %sign3A_80 : i1 to i32
    %sign3A_82 = arith.subi %sign3A_78, %sign3A_81 : i32
    %ne3A = vector.broadcast %sign3A_82 : i32 to vector<16x2048xi32>
    %ne3A_83 = arith.cmpi ne, %sign3A_75, %ne3A : vector<16x2048xi32>
    %rem3A = vector.broadcast %jit3A_65 : i32 to vector<16x2048xi32>
    %rem3A_84 = arith.remsi %iota3A_64, %rem3A : vector<16x2048xi32>
    %ne3A_85 = arith.constant 0 : i32
    %ne3A_86 = vector.broadcast %ne3A_85 : i32 to vector<16x2048xi32>
    %ne3A_87 = arith.cmpi ne, %rem3A_84, %ne3A_86 : vector<16x2048xi32>
    %and3A = arith.andi %ne3A_83, %ne3A_87 : vector<16x2048xi1>
    %sub3A_88 = arith.constant 1 : i32
    %sub3A_89 = vector.broadcast %sub3A_88 : i32 to vector<16x2048xi32>
    %sub3A_90 = arith.subi %div3A_67, %sub3A_89 : vector<16x2048xi32>
    %select_n3A_91 = arith.select %and3A, %sub3A_90, %div3A_67 : vector<16x2048xi1>, vector<16x2048xi32>
    %iota3A_92 = tpu.iota {dimensions = array<i32: 0>} : vector<16x2048xi32>
    %eq3A_93 = arith.cmpi eq, %select_n3A_91, %iota3A_92 : vector<16x2048xi32>
    %convert_element_type3A = arith.extui %eq3A_93 : vector<16x2048xi1> to vector<16x2048xi32>
    %convert_element_type3A_94 = arith.sitofp %convert_element_type3A : vector<16x2048xi32> to vector<16x2048xf32>
    %eq3A_95 = vector.broadcast %broadcast_in_dim3A_24 : vector<2048x1xi32> to vector<2048x128xi32>
    %eq3A_96 = arith.cmpi eq, %iota3A, %eq3A_95 : vector<2048x128xi32>
    %convert_element_type3A_97 = arith.extui %eq3A_96 : vector<2048x128xi1> to vector<2048x128xi32>
    %convert_element_type3A_98 = arith.sitofp %convert_element_type3A_97 : vector<2048x128xi32> to vector<2048x128xf32>
    %eq3A_99 = vector.broadcast %broadcast_in_dim3A_40 : vector<2048x1xi32> to vector<2048x128xi32>
    %eq3A_100 = arith.cmpi eq, %iota3A, %eq3A_99 : vector<2048x128xi32>
    %convert_element_type3A_101 = arith.extui %eq3A_100 : vector<2048x128xi1> to vector<2048x128xi32>
    %convert_element_type3A_102 = arith.sitofp %convert_element_type3A_101 : vector<2048x128xi32> to vector<2048x128xf32>
    %dot_general3A_103 = arith.constant dense<0.000000e+00> : vector<16x128xf32>
    %dot_general3A_104 = tpu.matmul %convert_element_type3A_94, %convert_element_type3A_98, %dot_general3A_103 {dimension_numbers = #tpu.dot_dimension_numbers<[1], [0], [0], [1], [0, 0, 1, 1], [], []>, transpose_lhs_hint = false} : vector<16x2048xf32>, vector<2048x128xf32>, vector<16x128xf32> -> vector<16x128xf32>
    %swap3A_105 = arith.constant 0 : index
    %swap3A_106 = arith.constant 0 : index
    %swap3A_107 = vector.load %arg7[%swap3A_105, %swap3A_106] : memref<16x128xf32, #tpu.memory_space<vmem>>, vector<16x128xf32>
    tpu.vector_store %arg7[%swap3A_105, %swap3A_106], %dot_general3A_104 {strides = array<i32>} : memref<16x128xf32, #tpu.memory_space<vmem>>, vector<16x128xf32>,
    %dot_general3A_108 = arith.constant dense<0.000000e+00> : vector<16x128xf32>
    %dot_general3A_109 = tpu.matmul %convert_element_type3A_94, %convert_element_type3A_102, %dot_general3A_108 {dimension_numbers = #tpu.dot_dimension_numbers<[1], [0], [0], [1], [0, 0, 1, 1], [], []>, transpose_lhs_hint = false} : vector<16x2048xf32>, vector<2048x128xf32>, vector<16x128xf32> -> vector<16x128xf32>
    %swap3A_110 = arith.constant 0 : index
    %swap3A_111 = arith.constant 0 : index
    %swap3A_112 = vector.load %arg8[%swap3A_110, %swap3A_111] : memref<16x128xf32, #tpu.memory_space<vmem>>, vector<16x128xf32>
    tpu.vector_store %arg8[%swap3A_110, %swap3A_111], %dot_general3A_109 {strides = array<i32>} : memref<16x128xf32, #tpu.memory_space<vmem>>, vector<16x128xf32>,
    return
  }
}

module attributes {stable_mosaic.version = 14 : i64} {
  func.func @_ffn_body(%arg0: i32, %arg1: memref<24xi32, #tpu.memory_space<smem>>, %arg2: memref<24xi32, #tpu.memory_space<smem>>, %arg3: memref<24xi32, #tpu.memory_space<smem>>, %arg4: memref<24xi32, #tpu.memory_space<smem>>, %arg5: memref<24xi32, #tpu.memory_space<smem>>, %arg6: memref<24xi32, #tpu.memory_space<smem>>, %arg7: memref<256x768xf32, #tpu.memory_space<vmem>>, %arg8: memref<8x768x3072xf32, #tpu.memory_space<hbm>>, %arg9: memref<1x1x3072xf32, #tpu.memory_space<vmem>>, %arg10: memref<8x3072x768xf32, #tpu.memory_space<hbm>>, %arg11: memref<1x1x768xf32, #tpu.memory_space<vmem>>, %arg12: memref<256x768xf32, #tpu.memory_space<vmem>>, %arg13: memref<2x768x3072xf32, #tpu.memory_space<vmem>>, %arg14: memref<2x3072x768xf32, #tpu.memory_space<vmem>>, %arg15: memref<2x2x!tpu.dma_semaphore, #tpu.memory_space<semaphore_mem>>) attributes {dimension_semantics = [#tpu.dimension_semantics<arbitrary>], iteration_bounds = array<i64: 24>, scalar_prefetch = 6 : i64, scratch_operands = 3 : i64, tpu.core_type = #tpu.core_type<tc>, window_params = [{transform_indices = @transform_0, window_bounds = array<i64: 256, 768>}, {}, {transform_indices = @transform_2, window_bounds = array<i64: 1, 1, 3072>}, {}, {transform_indices = @transform_4, window_bounds = array<i64: 1, 1, 768>}, {transform_indices = @transform_5, window_bounds = array<i64: 256, 768>}]} {
    %get3A = arith.index_cast %arg0 : i32 to index
    %get3A_0 = memref.load %arg2[%get3A] : memref<24xi32, #tpu.memory_space<smem>>
    %eq3A = arith.constant 0 : i32
    %eq3A_1 = arith.cmpi eq, %arg0, %eq3A : i32
    %convert_element_type3A = arith.extui %eq3A_1 : i1 to i32
    %cond3A = arith.constant 0 : i32
    %cond3A_2 = arith.cmpi ne, %convert_element_type3A, %cond3A : i32
    scf.if %cond3A_2 {
      %get3A_16 = arith.constant 0 : index
      %get3A_17 = memref.load %arg1[%get3A_16] : memref<24xi32, #tpu.memory_space<smem>>
      %dma_start3A = arith.constant 0 : i32
      %dma_start3A_18 = arith.constant 0 : i32
      %dma_start3A_19 = arith.constant 0 : i32
      %dma_start3A_20 = tpu.memref_slice %arg15[%dma_start3A_18, %dma_start3A_19] : memref<2x2x!tpu.dma_semaphore, #tpu.memory_space<semaphore_mem>> -> memref<1x1x!tpu.dma_semaphore, #tpu.memory_space<semaphore_mem>>
      %dma_start3A_21 = tpu.memref_squeeze %dma_start3A_20 : memref<1x1x!tpu.dma_semaphore, #tpu.memory_space<semaphore_mem>> -> memref<!tpu.dma_semaphore, #tpu.memory_space<semaphore_mem>>
      %dma_start3A_22 = arith.constant 0 : i32
      %dma_start3A_23 = arith.constant 0 : i32
      %dma_start3A_24 = tpu.memref_slice %arg13[%dma_start3A, %dma_start3A_22, %dma_start3A_23] : memref<2x768x3072xf32, #tpu.memory_space<vmem>> -> memref<1x768x3072xf32, #tpu.memory_space<vmem>>
      %dma_start3A_25 = tpu.memref_squeeze %dma_start3A_24 : memref<1x768x3072xf32, #tpu.memory_space<vmem>> -> memref<768x3072xf32, #tpu.memory_space<vmem>>
      %dma_start3A_26 = arith.constant 0 : i32
      %dma_start3A_27 = arith.constant 0 : i32
      %dma_start3A_28 = tpu.memref_slice %arg8[%get3A_17, %dma_start3A_26, %dma_start3A_27] : memref<8x768x3072xf32, #tpu.memory_space<hbm>> -> memref<1x768x3072xf32, #tpu.memory_space<hbm>>
      %dma_start3A_29 = tpu.memref_squeeze %dma_start3A_28 : memref<1x768x3072xf32, #tpu.memory_space<hbm>> -> memref<768x3072xf32, #tpu.memory_space<hbm>>
      tpu.enqueue_dma source(%dma_start3A_29 : memref<768x3072xf32, #tpu.memory_space<hbm>>) target(%dma_start3A_25 : memref<768x3072xf32, #tpu.memory_space<vmem>>) target_semaphore(%dma_start3A_21 : memref<!tpu.dma_semaphore, #tpu.memory_space<semaphore_mem>>)
      %dma_start3A_30 = arith.constant 0 : i32
      %dma_start3A_31 = arith.constant 0 : i32
      %dma_start3A_32 = arith.constant 1 : i32
      %dma_start3A_33 = tpu.memref_slice %arg15[%dma_start3A_31, %dma_start3A_32] : memref<2x2x!tpu.dma_semaphore, #tpu.memory_space<semaphore_mem>> -> memref<1x1x!tpu.dma_semaphore, #tpu.memory_space<semaphore_mem>>
      %dma_start3A_34 = tpu.memref_squeeze %dma_start3A_33 : memref<1x1x!tpu.dma_semaphore, #tpu.memory_space<semaphore_mem>> -> memref<!tpu.dma_semaphore, #tpu.memory_space<semaphore_mem>>
      %dma_start3A_35 = arith.constant 0 : i32
      %dma_start3A_36 = arith.constant 0 : i32
      %dma_start3A_37 = tpu.memref_slice %arg14[%dma_start3A_30, %dma_start3A_35, %dma_start3A_36] : memref<2x3072x768xf32, #tpu.memory_space<vmem>> -> memref<1x3072x768xf32, #tpu.memory_space<vmem>>
      %dma_start3A_38 = tpu.memref_squeeze %dma_start3A_37 : memref<1x3072x768xf32, #tpu.memory_space<vmem>> -> memref<3072x768xf32, #tpu.memory_space<vmem>>
      %dma_start3A_39 = arith.constant 0 : i32
      %dma_start3A_40 = arith.constant 0 : i32
      %dma_start3A_41 = tpu.memref_slice %arg10[%get3A_17, %dma_start3A_39, %dma_start3A_40] : memref<8x3072x768xf32, #tpu.memory_space<hbm>> -> memref<1x3072x768xf32, #tpu.memory_space<hbm>>
      %dma_start3A_42 = tpu.memref_squeeze %dma_start3A_41 : memref<1x3072x768xf32, #tpu.memory_space<hbm>> -> memref<3072x768xf32, #tpu.memory_space<hbm>>
      tpu.enqueue_dma source(%dma_start3A_42 : memref<3072x768xf32, #tpu.memory_space<hbm>>) target(%dma_start3A_38 : memref<3072x768xf32, #tpu.memory_space<vmem>>) target_semaphore(%dma_start3A_34 : memref<!tpu.dma_semaphore, #tpu.memory_space<semaphore_mem>>)
    } else {
    }
    %get3A_3 = arith.index_cast %arg0 : i32 to index
    %get3A_4 = memref.load %arg3[%get3A_3] : memref<24xi32, #tpu.memory_space<smem>>
    %eq3A_5 = arith.constant 1 : i32
    %eq3A_6 = arith.cmpi eq, %get3A_4, %eq3A_5 : i32
    %convert_element_type3A_7 = arith.extui %eq3A_6 : i1 to i32
    %cond3A_8 = arith.constant 0 : i32
    %cond3A_9 = arith.cmpi ne, %convert_element_type3A_7, %cond3A_8 : i32
    scf.if %cond3A_9 {
      %get3A_16 = arith.index_cast %arg0 : i32 to index
      %get3A_17 = memref.load %arg5[%get3A_16] : memref<24xi32, #tpu.memory_space<smem>>
      %eq3A_18 = arith.constant 1 : i32
      %eq3A_19 = arith.cmpi eq, %get3A_17, %eq3A_18 : i32
      %convert_element_type3A_20 = arith.extui %eq3A_19 : i1 to i32
      %cond3A_21 = arith.constant 0 : i32
      %cond3A_22 = arith.cmpi ne, %convert_element_type3A_20, %cond3A_21 : i32
      scf.if %cond3A_22 {
        %get3A_46 = arith.index_cast %arg0 : i32 to index
        %get3A_47 = memref.load %arg4[%get3A_46] : memref<24xi32, #tpu.memory_space<smem>>
        %sub3A = arith.constant 1 : i32
        %sub3A_48 = arith.subi %sub3A, %get3A_0 : i32
        %dma_start3A = arith.constant 0 : i32
        %dma_start3A_49 = tpu.memref_slice %arg15[%sub3A_48, %dma_start3A] : memref<2x2x!tpu.dma_semaphore, #tpu.memory_space<semaphore_mem>> -> memref<1x1x!tpu.dma_semaphore, #tpu.memory_space<semaphore_mem>>
        %dma_start3A_50 = tpu.memref_squeeze %dma_start3A_49 : memref<1x1x!tpu.dma_semaphore, #tpu.memory_space<semaphore_mem>> -> memref<!tpu.dma_semaphore, #tpu.memory_space<semaphore_mem>>
        %dma_start3A_51 = arith.constant 0 : i32
        %dma_start3A_52 = arith.constant 0 : i32
        %dma_start3A_53 = tpu.memref_slice %arg13[%sub3A_48, %dma_start3A_51, %dma_start3A_52] : memref<2x768x3072xf32, #tpu.memory_space<vmem>> -> memref<1x768x3072xf32, #tpu.memory_space<vmem>>
        %dma_start3A_54 = tpu.memref_squeeze %dma_start3A_53 : memref<1x768x3072xf32, #tpu.memory_space<vmem>> -> memref<768x3072xf32, #tpu.memory_space<vmem>>
        %dma_start3A_55 = arith.constant 0 : i32
        %dma_start3A_56 = arith.constant 0 : i32
        %dma_start3A_57 = tpu.memref_slice %arg8[%get3A_47, %dma_start3A_55, %dma_start3A_56] : memref<8x768x3072xf32, #tpu.memory_space<hbm>> -> memref<1x768x3072xf32, #tpu.memory_space<hbm>>
        %dma_start3A_58 = tpu.memref_squeeze %dma_start3A_57 : memref<1x768x3072xf32, #tpu.memory_space<hbm>> -> memref<768x3072xf32, #tpu.memory_space<hbm>>
        tpu.enqueue_dma source(%dma_start3A_58 : memref<768x3072xf32, #tpu.memory_space<hbm>>) target(%dma_start3A_54 : memref<768x3072xf32, #tpu.memory_space<vmem>>) target_semaphore(%dma_start3A_50 : memref<!tpu.dma_semaphore, #tpu.memory_space<semaphore_mem>>)
        %dma_start3A_59 = arith.constant 1 : i32
        %dma_start3A_60 = tpu.memref_slice %arg15[%sub3A_48, %dma_start3A_59] : memref<2x2x!tpu.dma_semaphore, #tpu.memory_space<semaphore_mem>> -> memref<1x1x!tpu.dma_semaphore, #tpu.memory_space<semaphore_mem>>
        %dma_start3A_61 = tpu.memref_squeeze %dma_start3A_60 : memref<1x1x!tpu.dma_semaphore, #tpu.memory_space<semaphore_mem>> -> memref<!tpu.dma_semaphore, #tpu.memory_space<semaphore_mem>>
        %dma_start3A_62 = arith.constant 0 : i32
        %dma_start3A_63 = arith.constant 0 : i32
        %dma_start3A_64 = tpu.memref_slice %arg14[%sub3A_48, %dma_start3A_62, %dma_start3A_63] : memref<2x3072x768xf32, #tpu.memory_space<vmem>> -> memref<1x3072x768xf32, #tpu.memory_space<vmem>>
        %dma_start3A_65 = tpu.memref_squeeze %dma_start3A_64 : memref<1x3072x768xf32, #tpu.memory_space<vmem>> -> memref<3072x768xf32, #tpu.memory_space<vmem>>
        %dma_start3A_66 = arith.constant 0 : i32
        %dma_start3A_67 = arith.constant 0 : i32
        %dma_start3A_68 = tpu.memref_slice %arg10[%get3A_47, %dma_start3A_66, %dma_start3A_67] : memref<8x3072x768xf32, #tpu.memory_space<hbm>> -> memref<1x3072x768xf32, #tpu.memory_space<hbm>>
        %dma_start3A_69 = tpu.memref_squeeze %dma_start3A_68 : memref<1x3072x768xf32, #tpu.memory_space<hbm>> -> memref<3072x768xf32, #tpu.memory_space<hbm>>
        tpu.enqueue_dma source(%dma_start3A_69 : memref<3072x768xf32, #tpu.memory_space<hbm>>) target(%dma_start3A_65 : memref<3072x768xf32, #tpu.memory_space<vmem>>) target_semaphore(%dma_start3A_61 : memref<!tpu.dma_semaphore, #tpu.memory_space<semaphore_mem>>)
      } else {
      }
      %get3A_23 = arith.index_cast %arg0 : i32 to index
      %get3A_24 = memref.load %arg1[%get3A_23] : memref<24xi32, #tpu.memory_space<smem>>
      %dma_wait3A = arith.constant 0 : i32
      %dma_wait3A_25 = tpu.memref_slice %arg15[%get3A_0, %dma_wait3A] : memref<2x2x!tpu.dma_semaphore, #tpu.memory_space<semaphore_mem>> -> memref<1x1x!tpu.dma_semaphore, #tpu.memory_space<semaphore_mem>>
      %dma_wait3A_26 = tpu.memref_squeeze %dma_wait3A_25 : memref<1x1x!tpu.dma_semaphore, #tpu.memory_space<semaphore_mem>> -> memref<!tpu.dma_semaphore, #tpu.memory_space<semaphore_mem>>
      %dma_wait3A_27 = arith.constant 0 : i32
      %dma_wait3A_28 = arith.constant 0 : i32
      %dma_wait3A_29 = tpu.memref_slice %arg13[%get3A_0, %dma_wait3A_27, %dma_wait3A_28] : memref<2x768x3072xf32, #tpu.memory_space<vmem>> -> memref<1x768x3072xf32, #tpu.memory_space<vmem>>
      %dma_wait3A_30 = tpu.memref_squeeze %dma_wait3A_29 : memref<1x768x3072xf32, #tpu.memory_space<vmem>> -> memref<768x3072xf32, #tpu.memory_space<vmem>>
      %dma_wait3A_31 = arith.constant 0 : i32
      %dma_wait3A_32 = arith.constant 0 : i32
      %dma_wait3A_33 = tpu.memref_slice %arg8[%get3A_24, %dma_wait3A_31, %dma_wait3A_32] : memref<8x768x3072xf32, #tpu.memory_space<hbm>> -> memref<1x768x3072xf32, #tpu.memory_space<hbm>>
      %dma_wait3A_34 = tpu.memref_squeeze %dma_wait3A_33 : memref<1x768x3072xf32, #tpu.memory_space<hbm>> -> memref<768x3072xf32, #tpu.memory_space<hbm>>
      tpu.wait_dma2 semaphore(%dma_wait3A_26 : memref<!tpu.dma_semaphore, #tpu.memory_space<semaphore_mem>>) src(%dma_wait3A_34 : memref<768x3072xf32, #tpu.memory_space<hbm>>) dst(%dma_wait3A_30 : memref<768x3072xf32, #tpu.memory_space<vmem>>)
      %dma_wait3A_35 = arith.constant 1 : i32
      %dma_wait3A_36 = tpu.memref_slice %arg15[%get3A_0, %dma_wait3A_35] : memref<2x2x!tpu.dma_semaphore, #tpu.memory_space<semaphore_mem>> -> memref<1x1x!tpu.dma_semaphore, #tpu.memory_space<semaphore_mem>>
      %dma_wait3A_37 = tpu.memref_squeeze %dma_wait3A_36 : memref<1x1x!tpu.dma_semaphore, #tpu.memory_space<semaphore_mem>> -> memref<!tpu.dma_semaphore, #tpu.memory_space<semaphore_mem>>
      %dma_wait3A_38 = arith.constant 0 : i32
      %dma_wait3A_39 = arith.constant 0 : i32
      %dma_wait3A_40 = tpu.memref_slice %arg14[%get3A_0, %dma_wait3A_38, %dma_wait3A_39] : memref<2x3072x768xf32, #tpu.memory_space<vmem>> -> memref<1x3072x768xf32, #tpu.memory_space<vmem>>
      %dma_wait3A_41 = tpu.memref_squeeze %dma_wait3A_40 : memref<1x3072x768xf32, #tpu.memory_space<vmem>> -> memref<3072x768xf32, #tpu.memory_space<vmem>>
      %dma_wait3A_42 = arith.constant 0 : i32
      %dma_wait3A_43 = arith.constant 0 : i32
      %dma_wait3A_44 = tpu.memref_slice %arg10[%get3A_24, %dma_wait3A_42, %dma_wait3A_43] : memref<8x3072x768xf32, #tpu.memory_space<hbm>> -> memref<1x3072x768xf32, #tpu.memory_space<hbm>>
      %dma_wait3A_45 = tpu.memref_squeeze %dma_wait3A_44 : memref<1x3072x768xf32, #tpu.memory_space<hbm>> -> memref<3072x768xf32, #tpu.memory_space<hbm>>
      tpu.wait_dma2 semaphore(%dma_wait3A_37 : memref<!tpu.dma_semaphore, #tpu.memory_space<semaphore_mem>>) src(%dma_wait3A_45 : memref<3072x768xf32, #tpu.memory_space<hbm>>) dst(%dma_wait3A_41 : memref<3072x768xf32, #tpu.memory_space<vmem>>)
    } else {
    }
    %get3A_10 = arith.index_cast %arg0 : i32 to index
    %get3A_11 = memref.load %arg6[%get3A_10] : memref<24xi32, #tpu.memory_space<smem>>
    %gt3A = arith.constant 0 : i32
    %gt3A_12 = arith.cmpi sgt, %get3A_11, %gt3A : i32
    %convert_element_type3A_13 = arith.extui %gt3A_12 : i1 to i32
    %cond3A_14 = arith.constant 0 : i32
    %cond3A_15 = arith.cmpi ne, %convert_element_type3A_13, %cond3A_14 : i32
    scf.if %cond3A_15 {
      %get3A_16 = arith.constant 0 : index
      %get3A_17 = arith.constant 0 : index
      %get3A_18 = vector.load %arg7[%get3A_16, %get3A_17] : memref<256x768xf32, #tpu.memory_space<vmem>>, vector<256x768xf32>
      %get3A_19 = arith.index_cast %get3A_0 : i32 to index
      %get3A_20 = arith.constant 0 : index
      %get3A_21 = arith.constant 0 : index
      %get3A_22 = vector.load %arg13[%get3A_19, %get3A_20, %get3A_21] : memref<2x768x3072xf32, #tpu.memory_space<vmem>>, vector<1x768x3072xf32>
      %get3A_23 = vector.shape_cast %get3A_22 : vector<1x768x3072xf32> to vector<768x3072xf32>
      %dot_general3A = arith.constant dense<0.000000e+00> : vector<256x3072xf32>
      %dot_general3A_24 = tpu.matmul %get3A_18, %get3A_23, %dot_general3A {dimension_numbers = #tpu.dot_dimension_numbers<[1], [0], [0], [1], [0, 0, 1, 1], [], []>, transpose_lhs_hint = false} : vector<256x768xf32>, vector<768x3072xf32>, vector<256x3072xf32> -> vector<256x3072xf32>
      %get3A_25 = arith.constant 0 : index
      %get3A_26 = arith.constant 0 : index
      %get3A_27 = arith.constant 0 : index
      %get3A_28 = vector.load %arg9[%get3A_25, %get3A_26, %get3A_27] : memref<1x1x3072xf32, #tpu.memory_space<vmem>>, vector<1x1x3072xf32>
      %get3A_29 = vector.shape_cast %get3A_28 : vector<1x1x3072xf32> to vector<1x3072xf32>
      %add3A = vector.broadcast %get3A_29 : vector<1x3072xf32> to vector<256x3072xf32>
      %add3A_30 = arith.addf %dot_general3A_24, %add3A : vector<256x3072xf32>
      %max3A = arith.constant 0.000000e+00 : f32
      %max3A_31 = vector.broadcast %max3A : f32 to vector<256x3072xf32>
      %max3A_32 = arith.maximumf %add3A_30, %max3A_31 : vector<256x3072xf32>
      %get3A_33 = arith.index_cast %get3A_0 : i32 to index
      %get3A_34 = arith.constant 0 : index
      %get3A_35 = arith.constant 0 : index
      %get3A_36 = vector.load %arg14[%get3A_33, %get3A_34, %get3A_35] : memref<2x3072x768xf32, #tpu.memory_space<vmem>>, vector<1x3072x768xf32>
      %get3A_37 = vector.shape_cast %get3A_36 : vector<1x3072x768xf32> to vector<3072x768xf32>
      %dot_general3A_38 = arith.constant dense<0.000000e+00> : vector<256x768xf32>
      %dot_general3A_39 = tpu.matmul %max3A_32, %get3A_37, %dot_general3A_38 {dimension_numbers = #tpu.dot_dimension_numbers<[1], [0], [0], [1], [0, 0, 1, 1], [], []>, transpose_lhs_hint = false} : vector<256x3072xf32>, vector<3072x768xf32>, vector<256x768xf32> -> vector<256x768xf32>
      %get3A_40 = arith.constant 0 : index
      %get3A_41 = arith.constant 0 : index
      %get3A_42 = arith.constant 0 : index
      %get3A_43 = vector.load %arg11[%get3A_40, %get3A_41, %get3A_42] : memref<1x1x768xf32, #tpu.memory_space<vmem>>, vector<1x1x768xf32>
      %get3A_44 = vector.shape_cast %get3A_43 : vector<1x1x768xf32> to vector<1x768xf32>
      %add3A_45 = vector.broadcast %get3A_44 : vector<1x768xf32> to vector<256x768xf32>
      %add3A_46 = arith.addf %dot_general3A_39, %add3A_45 : vector<256x768xf32>
      %swap3A = arith.constant 0 : index
      %swap3A_47 = arith.constant 0 : index
      %swap3A_48 = vector.load %arg12[%swap3A, %swap3A_47] : memref<256x768xf32, #tpu.memory_space<vmem>>, vector<256x768xf32>
      tpu.vector_store %arg12[%swap3A, %swap3A_47], %add3A_46 {strides = array<i32>} : memref<256x768xf32, #tpu.memory_space<vmem>>, vector<256x768xf32>,
    } else {
    }
    return
  }
  func.func @transform_0(%arg0: i32, %arg1: memref<24xi32, #tpu.memory_space<smem>>, %arg2: memref<24xi32, #tpu.memory_space<smem>>, %arg3: memref<24xi32, #tpu.memory_space<smem>>, %arg4: memref<24xi32, #tpu.memory_space<smem>>, %arg5: memref<24xi32, #tpu.memory_space<smem>>, %arg6: memref<24xi32, #tpu.memory_space<smem>>) -> (i32, i32) {
    %c0_i32 = arith.constant 0 : i32
    %c0_i32_0 = arith.constant 0 : i32
    return %arg0, %c0_i32 : i32, i32
  }
  func.func @transform_2(%arg0: i32, %arg1: memref<24xi32, #tpu.memory_space<smem>>, %arg2: memref<24xi32, #tpu.memory_space<smem>>, %arg3: memref<24xi32, #tpu.memory_space<smem>>, %arg4: memref<24xi32, #tpu.memory_space<smem>>, %arg5: memref<24xi32, #tpu.memory_space<smem>>, %arg6: memref<24xi32, #tpu.memory_space<smem>>) -> (i32, i32, i32) {
    %get3A = arith.index_cast %arg0 : i32 to index
    %get3A_0 = memref.load %arg1[%get3A] : memref<24xi32, #tpu.memory_space<smem>>
    %c0_i32 = arith.constant 0 : i32
    %c0_i32_1 = arith.constant 0 : i32
    %c0_i32_2 = arith.constant 0 : i32
    return %get3A_0, %c0_i32, %c0_i32_1 : i32, i32, i32
  }
  func.func @transform_4(%arg0: i32, %arg1: memref<24xi32, #tpu.memory_space<smem>>, %arg2: memref<24xi32, #tpu.memory_space<smem>>, %arg3: memref<24xi32, #tpu.memory_space<smem>>, %arg4: memref<24xi32, #tpu.memory_space<smem>>, %arg5: memref<24xi32, #tpu.memory_space<smem>>, %arg6: memref<24xi32, #tpu.memory_space<smem>>) -> (i32, i32, i32) {
    %get3A = arith.index_cast %arg0 : i32 to index
    %get3A_0 = memref.load %arg1[%get3A] : memref<24xi32, #tpu.memory_space<smem>>
    %c0_i32 = arith.constant 0 : i32
    %c0_i32_1 = arith.constant 0 : i32
    %c0_i32_2 = arith.constant 0 : i32
    return %get3A_0, %c0_i32, %c0_i32_1 : i32, i32, i32
  }
  func.func @transform_5(%arg0: i32, %arg1: memref<24xi32, #tpu.memory_space<smem>>, %arg2: memref<24xi32, #tpu.memory_space<smem>>, %arg3: memref<24xi32, #tpu.memory_space<smem>>, %arg4: memref<24xi32, #tpu.memory_space<smem>>, %arg5: memref<24xi32, #tpu.memory_space<smem>>, %arg6: memref<24xi32, #tpu.memory_space<smem>>) -> (i32, i32) {
    %c0_i32 = arith.constant 0 : i32
    %c0_i32_0 = arith.constant 0 : i32
    return %arg0, %c0_i32 : i32, i32
  }
}

</mosaic_0001>

<sc_bundles>
// kernel: gather_offload_async_start.1
scs
__scs_entry_jumppad:
0x0: {  	(pc) =	sbr.rel $0x88, $3  }
0x1: {  	(tag) =	ssettag $0x0;
	lr =	simm.s32 $0x1  }
0x2: {  	[smem:$0x3F9B] =	sst lr;
	_ =	strace $0xD0000000  }
0x3: {  	_ = 	snop  }
0x4: {  	_ = 	snop  }
0x5: {  	_ = 	snop  }
0x6: {  	_ = 	snop  }
0x7: {  	_ = 	snop  }
__scs_overlays_trampoline_lowered:
0x8: {  	[smem:$0x3FAA] =	sst s0  }
0x9: {  	[smem:$0x3FAB] =	sst s1  }
0xa: {  	[smem:$0x3FAC] =	sst s2  }
0xb: {  	[smem:$0x3FAD] =	sst s3  }
0xc: {  	[smem:$0x3FAE] =	sst s4  }
0xd: {  	[smem:$0x3FAF] =	sst s5  }
0xe: {  	[smem:$0x3FB0] =	sst s6  }
0xf: {  	[smem:$0x3FB1] =	sst s7  }
0x10: {  	[smem:$0x3FB2] =	sst s8  }
0x11: {  	[smem:$0x3FB3] =	sst s9;
	s0 =	simm.s32 @!p0 $0x0  }
0x12: {  	s1 =	sld [smem:$0x3F99];
	s0 =	simm.s32 @p0 $0x1  }
0x13: {  	[smem:$0x3FB4] =	sst s0;
	s0 =	simm.s32 @!p1 $0x0  }
0x14: {  	s2 =	sld [smem:$0x3F98];
	s0 =	simm.s32 @p1 $0x1  }
0x15: {  	[smem:$0x3FB5] =	sst s0;
	s0 =	simm.s32 @!p2 $0x0  }
0x16: {  	s3 =	sld [smem:$0x3FDB];
	s0 =	simm.s32 @p2 $0x1  }
0x17: {  	s4 =	simm.s32 $0x1BF5;
	[smem:$0x3FB7] =	sst s0  }
0x18: {  	s0 =	sld [smem:$0x3F9A];
	_ =	swait.ge [sflag:s4], $0x0  }
0x19: {  	s7 =	sld [smem:$0x3F9B]  }
0x1a: {  	s8 =	sadd.s32 $0xFFFFE003, lr  }
0x1b: {  	s9 =	sadd.s32 $0xFFFFFEF7, lr;
	s5 =	simm.s32 $0xFFFFFFFF;
	p2 =	slt.u32 s8, $0xFFFFF086  }
0x1c: {  	p1 =	slt.u32 s9, $0xF7A;
	s5 =	simm.s32 @!p2 $0x0  }
0x1d: {  	s5 =	simm.s32 @p1 $0x1;
	p0 =	seq.s32 s7, s2  }
0x1e: {  	s7 =	smul.u32 @!p0 $0xF7A, s2;
	p2 =	seq.s32 @!p0 s5, $0x0  }
0x1f: {  	s9 =	smul.u32 $0xF7A, s1;
	s8 =	simm.s32 @!p0 $0x1BF5;
	p2 =	por !p2, p0  }
0x20: {  	[sflag:s8] =	ssyncset.s32 @!p0 $0xFFFFF086;
	s6 =	sadd.s32 @!p0 s3, s7;
	s7 =	simm.s32 @!p0 $0x108  }
0x21: {  	s3 =	sadd.s32 s3, s9;
	s6 =	sadd.s32 @!p0 $0x88, s6;
	s7 =	simm.s32 @p2 $0x1082  }
0x22: {  	[simem:s7], [sflag:s8] =	dma.local @!p0 [hbm:s6], $0xF7A  }
0x23: {  	s9 =	sor.u32 $0xD0000000, s2;
	s6 =	simm.s32 $0x108;
	_ =	swait.ge @!p0 [sflag:s8], $0x0  }
0x24: {  	s3 =	sadd.s32 $0x88, s3;
	s6 =	simm.s32 @!p1 $0x1082;
	[sflag:s4] =	ssyncset.s32 $0xFFFFF086  }
0x25: {  	[simem:s6], [sflag:s4] =	dma.local [hbm:s3], $0xF7A  }
0x26: {  	[smem:$0x3F9B] =	sst s1;
	(tag) =	ssettag s2;
	_ =	strace s9  }
0x27: {  	s1 =	sld [smem:$0x3FAB]  }
0x28: {  	s2 =	sld [smem:$0x3FAC]  }
0x29: {  	s4 =	sld [smem:$0x3FAE]  }
0x2a: {  	p0 =	seq.s32 s5, $0x0;
	s5 =	sld [smem:$0x3FAF]  }
0x2b: {  	s6 =	sld [smem:$0x3FB0]  }
0x2c: {  	s7 =	sld [smem:$0x3FB1]  }
0x2d: {  	s3 =	simm.s32 $0x108;
	s8 =	sld [smem:$0x3FB2]  }
0x2e: {  	s3 =	simm.s32 @!p0 $0x1082;
	s9 =	sld [smem:$0x3FB3]  }
0x2f: {  	lr =	sadd.s32 s0, s3;
	s0 =	sld [smem:$0x3FAA]  }
0x30: {  	s3 =	sld [smem:$0x3FAD]  }
0x31: {  	[smem:$0x3FB6] =	sst s10  }
0x32: {  	s10 =	sld [smem:$0x3FB4];
	_ =	sdelay $0x3  }
0x33: {  	p0 =	seq.s32 s10, $0x1;
	s10 =	sld [smem:$0x3FB6];
	_ =	sdelay $0x3  }
0x34: {  	[smem:$0x3FB6] =	sst s10  }
0x35: {  	s10 =	sld [smem:$0x3FB5];
	_ =	sdelay $0x3  }
0x36: {  	p1 =	seq.s32 s10, $0x1;
	s10 =	sld [smem:$0x3FB6];
	_ =	sdelay $0x3  }
0x37: {  	[smem:$0x3FB6] =	sst s10  }
0x38: {  	s10 =	sld [smem:$0x3FB7]  }
0x39: {  	_ = 	snop;
	(pc) =	sbr.ind lr, $3  }
0x3a: {  	_ = 	snop  }
0x3b: {  	_ = 	snop  }
0x3c: {  	p2 =	seq.s32 s10, $0x1;
	s10 =	sld [smem:$0x3FB6]  }
0x3d: {  	_ =	shalt  }
0x3e: {  	_ =	shalt  }
0x3f: {  	_ =	shalt  }
0x40: {  	_ =	shalt  }
0x41: {  	_ =	shalt  }
0x42: {  	_ =	shalt  }
0x43: {  	_ =	shalt  }
0x44: {  	_ =	shalt  }
0x45: {  	_ =	shalt  }
0x46: {  	_ =	shalt  }
0x47: {  	_ =	shalt  }
0x48: {  	_ =	shalt  }
0x49: {  	_ =	shalt  }
0x4a: {  	_ =	shalt  }
0x4b: {  	_ =	shalt  }
0x4c: {  	_ =	shalt  }
0x4d: {  	_ =	shalt  }
0x4e: {  	_ =	shalt  }
0x4f: {  	_ =	shalt  }
0x50: {  	_ =	shalt  }
0x51: {  	_ =	shalt  }
0x52: {  	_ =	shalt  }
0x53: {  	_ =	shalt  }
0x54: {  	_ =	shalt  }
0x55: {  	_ =	shalt  }
0x56: {  	_ =	shalt  }
0x57: {  	_ =	shalt  }
0x58: {  	_ =	shalt  }
0x59: {  	_ =	shalt  }
0x5a: {  	_ =	shalt  }
0x5b: {  	_ =	shalt  }
0x5c: {  	_ =	shalt  }
0x5d: {  	_ =	shalt  }
0x5e: {  	_ =	shalt  }
0x5f: {  	_ =	shalt  }
0x60: {  	_ =	shalt  }
0x61: {  	_ =	shalt  }
0x62: {  	_ =	shalt  }
0x63: {  	_ =	shalt  }
0x64: {  	_ =	shalt  }
0x65: {  	_ =	shalt  }
0x66: {  	_ =	shalt  }
0x67: {  	_ =	shalt  }
0x68: {  	_ =	shalt  }
0x69: {  	_ =	shalt  }
0x6a: {  	_ =	shalt  }
0x6b: {  	_ =	shalt  }
0x6c: {  	_ =	shalt  }
0x6d: {  	_ =	shalt  }
0x6e: {  	_ =	shalt  }
0x6f: {  	_ =	shalt  }
0x70: {  	_ =	shalt  }
0x71: {  	_ =	shalt  }
0x72: {  	_ =	shalt  }
0x73: {  	_ =	shalt  }
0x74: {  	_ =	shalt  }
0x75: {  	_ =	shalt  }
0x76: {  	_ =	shalt  }
0x77: {  	_ =	shalt  }
0x78: {  	_ =	shalt  }
0x79: {  	_ =	shalt  }
0x7a: {  	_ =	shalt  }
0x7b: {  	_ =	shalt  }
0x7c: {  	_ =	shalt  }
0x7d: {  	_ =	shalt  }
0x7e: {  	_ =	shalt  }
0x7f: {  	_ =	shalt  }
0x80: {  	_ =	shalt  }
0x81: {  	_ =	shalt  }
0x82: {  	_ =	shalt  }
0x83: {  	_ =	shalt  }
0x84: {  	_ =	shalt  }
0x85: {  	_ =	shalt  }
0x86: {  	_ =	shalt  }
0x87: {  	_ =	shalt  }
.Lfunc_end0:
.L_simem_size_0:
called_computation.1_lowered:
.L_overlay_start_0:
0x88: {  	s2 =	sld [smem:$0x3FD9]  }
0x89: {  	s3 =	sld [smem:$0x3FFE];
	_ =	sdelay $0x1  }
0x8a: {  	s1 =	srdreg.scid  }
0x8b: {  	s0 =	sand.u32 $0x1, s1  }
0x8c: {  	s15 =	sshll.u32 s0, $0xA;
	s2 =	sadd.s32 s3, s2  }
0x8d: {  	s2 =	sadd.s32 s2, s15  }
0x8e: {  	[smem:$0x3FC2] =	sst s2  }
0x8f: {  	_ = 	snop  }
0x90: {  	s2 =	sld [smem:$0x3FD0];
	_ =	sdelay $0x2  }
0x91: {  	s16 =	simm.s32 $0xB;
	s4 =	simm.s32 $0x10  }
0x92: {  	[smem:s4], [sflag:s16] =	dma.local [hbm:s2], $0x1  }
0x93: {  	_ =	swait.eq [sflag:s16], $0x1  }
0x94: {  	[sflag:s16] =	ssyncset.done $0x0  }
0x95: {  	[sflag:s16] =	ssyncadd.s32 $0xFFFFFFFF  }
0x96: {  	s17 =	sld [smem:$0x10];
	(tm) =	ssettm $0x1  }
0x97: {  	s18 =	sld [smem:$0x3FFB];
	_ =	sdelay $0x3  }
0x98: {  	_ =	strace s18  }
0x99: {  	s2 =	sld [smem:$0x3FFC];
	_ =	sdelay $0x3  }
0x9a: {  	_ =	strace s2  }
0x9b: {  	s2 =	sld [smem:$0x3FFD];
	_ =	sdelay $0x3  }
0x9c: {  	_ =	strace s2  }
0x9d: {  	_ =	strace $0x8FFFFFFF  }
0x9e: {  	s19 =	sld [smem:$0x3FDB];
	_ =	sdelay $0x1  }
0x9f: {  	s20 =	simm.s32 $_scs_section_size  }
0xa0: {  	s5 =	simm.s32 $_size__tile_overlayer_lowered;
	s6 =	simm.s32 $_tile_overlayer_lowered  }
0xa1: {  	s7 =	simm.s32 $0x1BFF;
	s21 =	sshll.u32 s6, $0x1;
	s4 =	sadd.s32 s20, s19  }
0xa2: {  	s22 =	simm.s32 $0x0;
	s5 =	sshll.u32 s5, $0x1;
	s6 =	sadd.s32 s21, s4  }
0xa3: {  	[timem:s22], [sflag:s7] =	dma.local [hbm:s6], s5  }
0xa4: {  	_ =	swait.ge [sflag:s7], s5  }
0xa5: {  	s5 =	ssub.s32 $0x0, s5;
	[sflag:s7] =	ssyncset.done $0x0  }
0xa6: {  	[sflag:s7] =	ssyncadd.s32 s5;
	_ =	sdelay $0x1  }
0xa7: {  	s23 =	simm.s32 $0x1B8B  }
0xa8: {  	_ =	swait.ge [sflag:s23], $0x1  }
0xa9: {  	[sflag:s23] =	ssyncset.done $0x0  }
0xaa: {  	[sflag:s23] =	ssyncadd.s32 $0xFFFFFFFF  }
0xab: {  	s5 =	sld [smem:$0x0]  }
0xac: {  	s6 =	sand.u32 $0xFFFFFFFE, s1  }
0xad: {  	p0 =	sne.s32 s1, s6  }
0xae: {  	s6 =	sshll.u32 @p0 s6, $0xE  }
0xaf: {  	s6 =	sadd.s32 @p0 $0x11B8D, s6;
	s7 =	sshll.u32 @p0 s5, $0x11  }
0xb0: {  	s6 =	sor.u32 @p0 s7, s6  }
0xb1: {  	[sflag:s6] =	ssyncadd.remote.s32 @p0 $0x1;
	_ =	sdelay $0x1  }
0xb2: {  	s6 =	simm.s32 @p0 $0x1B8D  }
0xb3: {  	_ =	swait.eq @p0 [sflag:s6], $0x1  }
0xb4: {  	[sflag:s6] =	ssyncadd.s32 @p0 $0xFFFFFFFF  }
0xb5: {  	s7 =	sshll.u32 @!p0 s1, $0xE  }
0xb6: {  	s7 =	sor.u32 @!p0 $0x4000, s7;
	s6 =	simm.s32 @!p0 $0x1B8D  }
0xb7: {  	s5 =	sshll.u32 @!p0 s5, $0x11;
	s7 =	sadd.s32 @!p0 $0x11B8D, s7;
	_ =	swait.eq @!p0 [sflag:s6], $0x1  }
0xb8: {  	s5 =	sor.u32 @!p0 s5, s7;
	[sflag:s6] =	ssyncadd.s32 @!p0 $0xFFFFFFFF  }
0xb9: {  	s25 =	simm.s32 $0x1B8E;
	s24 =	sld [smem:$0x3FFE];
	[sflag:s5] =	ssyncadd.remote.s32 @!p0 $0x1  }
0xba: {  	s26 =	simm.s32 $execute0_lowered;
	[smem:$0x3FD2] =	sst s25  }
0xbb: {  	s6 =	sshll.u32 s26, $0x1;
	_ =	strace $0x8000004C;
	[dreg:$0x1] =	wrdreg $0xFFFFFFFF  }
0xbc: {  	s28 =	simm.s32 $_size_execute0_lowered;
	s4 =	sadd.s32 s4, s6;
	[dreg:$0x0] =	wrdreg $0x0  }
0xbd: {  	s6 =	sshll.u32 s28, $0x1;
	[dreg:$0x2] =	wrdreg s4  }
0xbe: {  	[dreg:$0x3] =	wrdreg s6  }
0xbf: {  	[dreg:$0x4] =	wrdreg $0xC0  }
0xc0: {  	_ =	task [dreg:s22], $0x5FFFF  }
0xc1: {  	[dreg:$0x1] =	wrdreg $0xFFFFFFFF  }
0xc2: {  	[dreg:$0x0] =	wrdreg $0x60  }
0xc3: {  	[dreg:$0x2] =	wrdreg s24  }
0xc4: {  	[dreg:$0x3] =	wrdreg s17  }
0xc5: {  	[dreg:$0x4] =	wrdreg $0xA  }
0xc6: {  	_ =	task.clear_ibuf [dreg:s22], $0x5FFFF;
	_ =	strace $0x9000004C  }
0xc7: {  	s29 =	simm.s32 $0xA;
	_ =	strace $0x8000004E  }
0xc8: {  	_ =	swait.ge [sflag:s29], $0x1  }
0xc9: {  	[sflag:s29] =	ssyncadd.s32 $0xFFFFFFFF  }
0xca: {  	_ =	strace $0x9000004E  }
0xcb: {  	_ =	sfence  }
0xcc: {  	s30 =	sld [smem:$0x0];
	_ =	sdelay $0x2  }
0xcd: {  	s31 =	sshll.u32 s1, $0xD;
	s1 =	sshrl.u32 s1, $0x2  }
0xce: {  	s4 =	sand.u32 $0x4000, s31;
	s1 =	sadd.s32 s1, s30  }
0xcf: {  	s0 =	sor.u32 s4, s0;
	s1 =	sshll.u32 s1, $0x11  }
0xd0: {  	s0 =	sor.u32 s1, s0  }
0xd1: {  	s0 =	sadd.s32 $0x8F2B, s0  }
0xd2: {  	[sflag:s0] =	ssyncadd.remote.s32 $0x1  }
0xd3: {  	_ =	sfence.sel $0xFFFF  }
0xd4: {  	[dreg:$0x0] =	wrdreg $0xFFFFFFFF;
	(pc) =	sbr.abs _section_cstart, $3  }
0xd5: {  	[dreg:$0x1] =	wrdreg $0xFFFFFFFF  }
0xd6: {  	_ =	task.clear_ibuf [dreg:s22], $0x2FFFF;
	_ =	strace $0x9FFFFFFF  }
0xd7: {  	(tm) =	ssettm $0x7FFFFFFF  }
tec
execute0_lowered:
.L_overlay_start_1:
0x0: {  	(tag) =	ssettag $0x1  }
0x1: {  	s7 =	rddreg [dreg:$0x0]  }
0x2: {  	s2 =	rddreg [dreg:$0x1]  }
0x3: {  	s0 =	rddreg [dreg:$0x2]  }
0x4: {  	s1 =	srdreg.scid;
	_ =	strace $0x8000004D;
	s4 =	simm.s32 $0x1  }
0x5: {  	s9 =	simm.s32 $0x3;
	s12 =	simm.s32 $0x0;
	s5 =	sshll.u32 s1, $0x4  }
.Ltmp0:
0x6: {  	s1 =	stileid.u32;
	s5 =	sand.u32 $0x10, s5;
	(pc) =	sbr.rel .LBB2_1-.Ltmp0, $4  }
0x7: {  	s10 =	simm.s32 $0x0;
	s3 =	sadd.s32 $0xA1600, s7;
	s6 =	sor.u32 s1, s5  }
0x8: {  	[sflag:s4] =	ssyncpa.u1 $0x0;
	s5 =	simm.s32 $0x2;
	s6 =	sshll.u32 s6, $0x6  }
0x9: {  	s7 =	sadd.s32 $0x10400, s7;
	[sflag:s5] =	ssyncpa.u1 $0x0;
	s8 =	sadd.s32 $0x40, s6  }
0xa: {  	vm0 =	vmmov $0xff;
	vm1 =	vcmask $0x3F20;
	[sflag:s9] =	ssyncpa.u1 $0x0;
	s9 =	simm.s32 $0x40;
	s11 =	smov.u32 s6  }
.LBB2_11:
0xb: {  	p0 =	seq.s32 s10, $0x2  }
.Ltmp1:
0xc: {  	_ = 	snop;
	(pc) =	sbr.rel @p0 .LBB2_13-.Ltmp1, $1  }
0xd: {  	_ =	sdelay $0x3  }
.LBB2_12:
0xe: {  	s12 =	sadd.s32 $0x40, s11  }
0xf: {  	s13 =	smov.u32 s6;
	p0 =	slt.s32 s12, s8  }
0x10: {  	s13 =	smov.u32 @p0 s12  }
0x11: {  	s10 =	sadd.s32 $0x1, s10;
	s12 =	smov.u32 s11;
	s11 =	smov.u32 s13  }
.LBB2_1:
0x12: {  	p0 =	sne.s32 s10, $0x0  }
.Ltmp2:
0x13: {  	_ = 	snop;
	(pc) =	sbr.rel @!p0 .LBB2_2-.Ltmp2, $1  }
0x14: {  	_ =	sdelay $0x3  }
0x15: {  	s13 =	sand.u32 $0x1, s10  }
0x16: {  	p0 =	seq.s32 s13, $0x0  }
.Ltmp3:
0x17: {  	_ = 	snop;
	(pc) =	sbr.rel @p0 .LBB2_11-.Ltmp3, $1  }
0x18: {  	_ =	sdelay $0x3  }
0x19: {  	_ =	swait.ge [sflag:s5], $0x40  }
0x1a: {  	[sflag:s5] =	ssyncset.done $0x0  }
0x1b: {  	s13 =	simm.s32 $0x0;
	s14 =	simm.s32 $0x80;
	[sflag:s5] =	ssyncadd.s32 $0xFFFFFFC0  }
.LBB2_5:
0x1c: {  	s15 =	sshll.u32 s13, $0x4  }
0x1d: {  	s15 =	sand.u32 $0x3FFFFFF0, s15  }
0x1e: {  	v0 =	vld.msk [tilespmem:s15+$0x40 ss:$0x1], $0xffff;
	_ =	sdelay $0x4  }
0x1f: {  	vm2 =	vgt.s32 v0, $0x0  }
0x20: {  	v0 =	vnsel vm2, $0x0, v0  }
0x21: {  	v0 =	vmin.u32 v0, $0x17FF  }
0x22: {  	v1 =	vshrl.u32 v0, $0x3  }
0x23: {  	v0 =	vshll.u32 v0, $0x7;
	v1 =	vmul.u32 $0x1800, v1  }
0x24: {  	v0 =	vand.u32 $0x380, v0  }
0x25: {  	v0 =	vor.u32 v0, v1  }
0x26: {  	v0 =	vshrl.u32 v0, $0x3;
	_ =	sdelay $0x2  }
0x27: {  	s16 =	sadd.s32 $0xFFFFE800, s14  }
0x28: {  	s31 =	sadd.s32 $0xD800, s16;
	s16 =	sadd.s32 $0xF000, s16;
	s15 =	simm.s32 $0xFFFFB000  }
0x29: {  	v1 =	vadd.s32 $0x80, v0;
	[tilespmem:s31], [sflag:$0x1] =	stream.indirect_vreg.gather [hbm:s3], $0x80, v0, vm0, $0x38;
	[tilespmem:$0x18080] =	vst v63  }
.LBB2_6:
0x2a: {  	[tilespmem:s16], [sflag:$0x1] =	stream.indirect_vreg.gather [hbm:s3], $0x80, v0, vm1, $0x38;
	[tilespmem:$0x18080] =	vst v63  }
0x2b: {  	v0 =	vmov v1;
	p0 =	sne.s32 s15, $0xFFFFF000  }
.Ltmp4:
0x2c: {  	s16 =	sshra.s32 s15, $0x2;
	(pc) =	sbr.rel @p0 .LBB2_6-.Ltmp4, $4  }
0x2d: {  	s15 =	sadd.s32 $0x1000, s15;
	s16 =	sadd.s32 s16, s14  }
0x2e: {  	s17 =	sadd.s32 $0xD800, s16  }
0x2f: {  	[tilespmem:s17], [sflag:$0x1] =	stream.indirect_vreg.gather [hbm:s3], $0x80, v1, vm0, $0x38;
	[tilespmem:$0x18080] =	vst v63  }
0x30: {  	s16 =	sadd.s32 $0xF000, s16;
	v1 =	vadd.s32 $0x80, v1  }
0x31: {  	s13 =	sadd.s32 $0x1, s13  }
0x32: {  	p0 =	sne.s32 s13, $0x4  }
.Ltmp5:
0x33: {  	_ = 	snop;
	(pc) =	sbr.rel @p0 .LBB2_5-.Ltmp5, $3  }
0x34: {  	_ =	sdelay $0x1  }
0x35: {  	[tilespmem:s16], [sflag:$0x1] =	stream.indirect_vreg.gather [hbm:s3], $0x80, v0, vm1, $0x38;
	[tilespmem:$0x18080] =	vst v63  }
0x36: {  	s14 =	sadd.s32 $0x3000, s14  }
0x37: {  	s13 =	sshrl.u32 s12, $0x3  }
0x38: {  	s13 =	smul.u32 $0x300, s13  }
0x39: {  	_ =	swait.ge [sflag:s4], $0xC000;
	s31 =	sshll.u32 s12, $0x4  }
0x3a: {  	s14 =	simm.s32 $0x300;
	s12 =	sand.u32 $0x70, s31;
	s13 =	sadd.s32 s13, s2  }
0x3b: {  	s15 =	simm.s32 $0xD880;
	[sflag:s4] =	ssyncset.done $0x0;
	s12 =	sadd.s32 s12, s13  }
0x3c: {  	[sflag:s4] =	ssyncadd.s32 $0xFFFF4000;
	s13 =	simm.s32 $0xC080;
	s16 =	sadd.s32 $0x0, s12  }
.LBB2_9:
0x3d: {  	[hbm:s16] =	stream.linear.scatter [tilespmem:s13], [sflag:$0x3], $0x1800, $0x38;
	[tilespmem:$0x18080] =	vst v63  }
0x3e: {  	s16 =	smov.u32 s14;
	s13 =	smov.u32 s15;
	p0 =	sne.s32 s14, $0x1500  }
.Ltmp6:
0x3f: {  	s14 =	sadd.s32 $0x300, s14;
	(pc) =	sbr.rel @p0 .LBB2_9-.Ltmp6, $2  }
0x40: {  	_ =	sdelay $0x2  }
0x41: {  	s15 =	sadd.s32 $0x1800, s15;
	s16 =	sadd.s32 s16, s12  }
.Ltmp7:
0x42: {  	(pc) =	sbr.rel .LBB2_11-.Ltmp7, $2  }
0x43: {  	_ =	sdelay $0x2  }
0x44: {  	[hbm:s16] =	stream.linear.scatter [tilespmem:s13], [sflag:$0x3], $0x1800, $0x38;
	[tilespmem:$0x18080] =	vst v63  }
.LBB2_2:
.Ltmp8:
0x45: {  	(pc) =	sbr.rel .LBB2_12-.Ltmp8, $4  }
0x46: {  	_ = 	snop  }
0x47: {  	s12 =	sshrl.u32 s11, $0x3  }
0x48: {  	s13 =	sand.u32 $0x7, s11;
	s12 =	sadd.s32 s7, s12  }
0x49: {  	[tilespmem:s9], [sflag:$0x2] =	stream.linear.gather [hbm4b:s12+s13], $0x40, $0x38;
	[tilespmem:$0x18080] =	vst v63  }
.LBB2_13:
0x4a: {  	s2 =	simm.s32 $0x3  }
0x4b: {  	_ =	swait.ge [sflag:s2], $0xC000  }
0x4c: {  	[sflag:s2] =	ssyncset.done $0x0  }
0x4d: {  	[sflag:s2] =	ssyncadd.s32 $0xFFFF4000  }
0x4e: {  	_ =	sfence.sel $0x180000  }
0x4f: {  	s3 =	simm.s32 $0x2;
	[bflag:$0x0] =	sbarrier.arrive $0xFFFF  }
0x50: {  	[sflag:s3] =	ssyncpa.u1 $0x1  }
0x51: {  	s31 =	simm.s32 $0x1;
	[sflag:s2] =	ssyncpa.u1 $0x1  }
0x52: {  	[sflag:s31] =	ssyncpa.u1 $0x1  }
0x53: {  	p0 =	sne.s32 s1, $0x0;
	_ =	strace $0x9000004D  }
0x54: {  	s0 =	sadd.s32 @!p0 $0x100000, s0;
	[bflag:$0x2] =	sbarrier.arrive $0xFFFF  }
0x55: {  	[sflag:s0] =	ssyncadd.tile.s32 @!p0 $0x1;
	_ =	shalt  }
.Lfunc_end2:
_tile_overlayer_lowered:
.L_overlay_start_2:
0x56: {  	(tag) =	ssettag $0x2  }
0x57: {  	s0 =	rddreg [dreg:$0x0];
	s2 =	stileid.u32  }
0x58: {  	s1 =	rddreg [dreg:$0x1];
	p0 =	sne.s32 s2, $0x0  }
0x59: {  	s3 =	rddreg [dreg:$0x2];
	[bflag:$0x3] =	sbarrier.arrive $0xFFFF;
	s2 =	simm.s32 @!p0 $0x1C01  }
0x5a: {  	[timem:s3], [sflag:s2] =	dma.local @!p0 [hbm:s0], s1  }
0x5b: {  	s0 =	simm.s32 @!p0 $0x1  }
0x5c: {  	_ =	swait.ge @!p0 [sflag:s0], s1  }
0x5d: {  	s1 =	ssub.s32 @!p0 $0x0, s1;
	[sflag:s0] =	ssyncset.done @!p0 $0x0  }
0x5e: {  	[sflag:s0] =	ssyncadd.s32 @!p0 s1  }
0x5f: {  	[bflag:$0x3] =	sbarrier.arrive $0xFFFF  }
0x60: {  	_ =	shalt  }

// kernel: gather_offload_async_start
scs
__scs_entry_jumppad:
0x0: {  	(pc) =	sbr.rel $0x88, $3  }
0x1: {  	(tag) =	ssettag $0x0;
	lr =	simm.s32 $0x1  }
0x2: {  	[smem:$0x3F9B] =	sst lr;
	_ =	strace $0xD0000000  }
0x3: {  	_ = 	snop  }
0x4: {  	_ = 	snop  }
0x5: {  	_ = 	snop  }
0x6: {  	_ = 	snop  }
0x7: {  	_ = 	snop  }
__scs_overlays_trampoline_lowered:
0x8: {  	[smem:$0x3FAA] =	sst s0  }
0x9: {  	[smem:$0x3FAB] =	sst s1  }
0xa: {  	[smem:$0x3FAC] =	sst s2  }
0xb: {  	[smem:$0x3FAD] =	sst s3  }
0xc: {  	[smem:$0x3FAE] =	sst s4  }
0xd: {  	[smem:$0x3FAF] =	sst s5  }
0xe: {  	[smem:$0x3FB0] =	sst s6  }
0xf: {  	[smem:$0x3FB1] =	sst s7  }
0x10: {  	[smem:$0x3FB2] =	sst s8  }
0x11: {  	[smem:$0x3FB3] =	sst s9;
	s0 =	simm.s32 @!p0 $0x0  }
0x12: {  	s1 =	sld [smem:$0x3F99];
	s0 =	simm.s32 @p0 $0x1  }
0x13: {  	[smem:$0x3FB4] =	sst s0;
	s0 =	simm.s32 @!p1 $0x0  }
0x14: {  	s2 =	sld [smem:$0x3F98];
	s0 =	simm.s32 @p1 $0x1  }
0x15: {  	[smem:$0x3FB5] =	sst s0;
	s0 =	simm.s32 @!p2 $0x0  }
0x16: {  	s3 =	sld [smem:$0x3FDB];
	s0 =	simm.s32 @p2 $0x1  }
0x17: {  	s4 =	simm.s32 $0x1BF5;
	[smem:$0x3FB7] =	sst s0  }
0x18: {  	s0 =	sld [smem:$0x3F9A];
	_ =	swait.ge [sflag:s4], $0x0  }
0x19: {  	s7 =	sld [smem:$0x3F9B]  }
0x1a: {  	s8 =	sadd.s32 $0xFFFFE003, lr  }
0x1b: {  	s9 =	sadd.s32 $0xFFFFFEF7, lr;
	s5 =	simm.s32 $0xFFFFFFFF;
	p2 =	slt.u32 s8, $0xFFFFF086  }
0x1c: {  	p1 =	slt.u32 s9, $0xF7A;
	s5 =	simm.s32 @!p2 $0x0  }
0x1d: {  	s5 =	simm.s32 @p1 $0x1;
	p0 =	seq.s32 s7, s2  }
0x1e: {  	s7 =	smul.u32 @!p0 $0xF7A, s2;
	p2 =	seq.s32 @!p0 s5, $0x0  }
0x1f: {  	s9 =	smul.u32 $0xF7A, s1;
	s8 =	simm.s32 @!p0 $0x1BF5;
	p2 =	por !p2, p0  }
0x20: {  	[sflag:s8] =	ssyncset.s32 @!p0 $0xFFFFF086;
	s6 =	sadd.s32 @!p0 s3, s7;
	s7 =	simm.s32 @!p0 $0x108  }
0x21: {  	s3 =	sadd.s32 s3, s9;
	s6 =	sadd.s32 @!p0 $0x88, s6;
	s7 =	simm.s32 @p2 $0x1082  }
0x22: {  	[simem:s7], [sflag:s8] =	dma.local @!p0 [hbm:s6], $0xF7A  }
0x23: {  	s9 =	sor.u32 $0xD0000000, s2;
	s6 =	simm.s32 $0x108;
	_ =	swait.ge @!p0 [sflag:s8], $0x0  }
0x24: {  	s3 =	sadd.s32 $0x88, s3;
	s6 =	simm.s32 @!p1 $0x1082;
	[sflag:s4] =	ssyncset.s32 $0xFFFFF086  }
0x25: {  	[simem:s6], [sflag:s4] =	dma.local [hbm:s3], $0xF7A  }
0x26: {  	[smem:$0x3F9B] =	sst s1;
	(tag) =	ssettag s2;
	_ =	strace s9  }
0x27: {  	s1 =	sld [smem:$0x3FAB]  }
0x28: {  	s2 =	sld [smem:$0x3FAC]  }
0x29: {  	s4 =	sld [smem:$0x3FAE]  }
0x2a: {  	p0 =	seq.s32 s5, $0x0;
	s5 =	sld [smem:$0x3FAF]  }
0x2b: {  	s6 =	sld [smem:$0x3FB0]  }
0x2c: {  	s7 =	sld [smem:$0x3FB1]  }
0x2d: {  	s3 =	simm.s32 $0x108;
	s8 =	sld [smem:$0x3FB2]  }
0x2e: {  	s3 =	simm.s32 @!p0 $0x1082;
	s9 =	sld [smem:$0x3FB3]  }
0x2f: {  	lr =	sadd.s32 s0, s3;
	s0 =	sld [smem:$0x3FAA]  }
0x30: {  	s3 =	sld [smem:$0x3FAD]  }
0x31: {  	[smem:$0x3FB6] =	sst s10  }
0x32: {  	s10 =	sld [smem:$0x3FB4];
	_ =	sdelay $0x3  }
0x33: {  	p0 =	seq.s32 s10, $0x1;
	s10 =	sld [smem:$0x3FB6];
	_ =	sdelay $0x3  }
0x34: {  	[smem:$0x3FB6] =	sst s10  }
0x35: {  	s10 =	sld [smem:$0x3FB5];
	_ =	sdelay $0x3  }
0x36: {  	p1 =	seq.s32 s10, $0x1;
	s10 =	sld [smem:$0x3FB6];
	_ =	sdelay $0x3  }
0x37: {  	[smem:$0x3FB6] =	sst s10  }
0x38: {  	s10 =	sld [smem:$0x3FB7]  }
0x39: {  	_ = 	snop;
	(pc) =	sbr.ind lr, $3  }
0x3a: {  	_ = 	snop  }
0x3b: {  	_ = 	snop  }
0x3c: {  	p2 =	seq.s32 s10, $0x1;
	s10 =	sld [smem:$0x3FB6]  }
0x3d: {  	_ =	shalt  }
0x3e: {  	_ =	shalt  }
0x3f: {  	_ =	shalt  }
0x40: {  	_ =	shalt  }
0x41: {  	_ =	shalt  }
0x42: {  	_ =	shalt  }
0x43: {  	_ =	shalt  }
0x44: {  	_ =	shalt  }
0x45: {  	_ =	shalt  }
0x46: {  	_ =	shalt  }
0x47: {  	_ =	shalt  }
0x48: {  	_ =	shalt  }
0x49: {  	_ =	shalt  }
0x4a: {  	_ =	shalt  }
0x4b: {  	_ =	shalt  }
0x4c: {  	_ =	shalt  }
0x4d: {  	_ =	shalt  }
0x4e: {  	_ =	shalt  }
0x4f: {  	_ =	shalt  }
0x50: {  	_ =	shalt  }
0x51: {  	_ =	shalt  }
0x52: {  	_ =	shalt  }
0x53: {  	_ =	shalt  }
0x54: {  	_ =	shalt  }
0x55: {  	_ =	shalt  }
0x56: {  	_ =	shalt  }
0x57: {  	_ =	shalt  }
0x58: {  	_ =	shalt  }
0x59: {  	_ =	shalt  }
0x5a: {  	_ =	shalt  }
0x5b: {  	_ =	shalt  }
0x5c: {  	_ =	shalt  }
0x5d: {  	_ =	shalt  }
0x5e: {  	_ =	shalt  }
0x5f: {  	_ =	shalt  }
0x60: {  	_ =	shalt  }
0x61: {  	_ =	shalt  }
0x62: {  	_ =	shalt  }
0x63: {  	_ =	shalt  }
0x64: {  	_ =	shalt  }
0x65: {  	_ =	shalt  }
0x66: {  	_ =	shalt  }
0x67: {  	_ =	shalt  }
0x68: {  	_ =	shalt  }
0x69: {  	_ =	shalt  }
0x6a: {  	_ =	shalt  }
0x6b: {  	_ =	shalt  }
0x6c: {  	_ =	shalt  }
0x6d: {  	_ =	shalt  }
0x6e: {  	_ =	shalt  }
0x6f: {  	_ =	shalt  }
0x70: {  	_ =	shalt  }
0x71: {  	_ =	shalt  }
0x72: {  	_ =	shalt  }
0x73: {  	_ =	shalt  }
0x74: {  	_ =	shalt  }
0x75: {  	_ =	shalt  }
0x76: {  	_ =	shalt  }
0x77: {  	_ =	shalt  }
0x78: {  	_ =	shalt  }
0x79: {  	_ =	shalt  }
0x7a: {  	_ =	shalt  }
0x7b: {  	_ =	shalt  }
0x7c: {  	_ =	shalt  }
0x7d: {  	_ =	shalt  }
0x7e: {  	_ =	shalt  }
0x7f: {  	_ =	shalt  }
0x80: {  	_ =	shalt  }
0x81: {  	_ =	shalt  }
0x82: {  	_ =	shalt  }
0x83: {  	_ =	shalt  }
0x84: {  	_ =	shalt  }
0x85: {  	_ =	shalt  }
0x86: {  	_ =	shalt  }
0x87: {  	_ =	shalt  }
.Lfunc_end0:
.L_simem_size_0:
called_computation_lowered:
.L_overlay_start_0:
0x88: {  	s2 =	sld [smem:$0x3FD9]  }
0x89: {  	s3 =	sld [smem:$0x3FFE];
	_ =	sdelay $0x1  }
0x8a: {  	s1 =	srdreg.scid  }
0x8b: {  	s0 =	sand.u32 $0x1, s1  }
0x8c: {  	s16 =	sshll.u32 s0, $0xA;
	s2 =	sadd.s32 s3, s2  }
0x8d: {  	s2 =	sadd.s32 s2, s16  }
0x8e: {  	[smem:$0x3FC2] =	sst s2  }
0x8f: {  	_ = 	snop  }
0x90: {  	(tm) =	ssettm $0x1  }
0x91: {  	s17 =	sld [smem:$0x3FFB];
	_ =	sdelay $0x3  }
0x92: {  	_ =	strace s17  }
0x93: {  	s2 =	sld [smem:$0x3FFC];
	_ =	sdelay $0x3  }
0x94: {  	_ =	strace s2  }
0x95: {  	s2 =	sld [smem:$0x3FFD];
	_ =	sdelay $0x3  }
0x96: {  	_ =	strace s2  }
0x97: {  	_ =	strace $0x8FFFFFFF  }
0x98: {  	s18 =	sld [smem:$0x3FDB];
	_ =	sdelay $0x1  }
0x99: {  	s19 =	simm.s32 $_scs_section_size  }
0x9a: {  	s4 =	simm.s32 $_size__tile_overlayer_lowered;
	s5 =	simm.s32 $_tile_overlayer_lowered  }
0x9b: {  	s22 =	simm.s32 $0x1BFF;
	s21 =	sshll.u32 s5, $0x1;
	s2 =	sadd.s32 s19, s18  }
0x9c: {  	s6 =	simm.s32 $0x0;
	s20 =	sshll.u32 s4, $0x1;
	s4 =	sadd.s32 s21, s2  }
0x9d: {  	[timem:s6], [sflag:s22] =	dma.local [hbm:s4], s20  }
0x9e: {  	_ =	swait.ge [sflag:s22], s20  }
0x9f: {  	s3 =	ssub.s32 $0x0, s20;
	[sflag:s22] =	ssyncset.done $0x0  }
0xa0: {  	[sflag:s22] =	ssyncadd.s32 s3;
	_ =	sdelay $0x1  }
0xa1: {  	s23 =	simm.s32 $0x1B8B  }
0xa2: {  	_ =	swait.ge [sflag:s23], $0x1  }
0xa3: {  	[sflag:s23] =	ssyncset.done $0x0  }
0xa4: {  	s25 =	simm.s32 $0x1B8E;
	s24 =	sld [smem:$0x3FFE];
	[sflag:s23] =	ssyncadd.s32 $0xFFFFFFFF  }
0xa5: {  	s26 =	simm.s32 $execute0_lowered;
	[smem:$0x3FD2] =	sst s25  }
0xa6: {  	s4 =	sshll.u32 s26, $0x1;
	_ =	strace $0x80000049;
	[dreg:$0x1] =	wrdreg $0xFFFFFFFF  }
0xa7: {  	s28 =	simm.s32 $_size_execute0_lowered;
	s2 =	sadd.s32 s2, s4;
	[dreg:$0x0] =	wrdreg $0x0  }
0xa8: {  	s4 =	sshll.u32 s28, $0x1;
	[dreg:$0x2] =	wrdreg s2  }
0xa9: {  	[dreg:$0x3] =	wrdreg s4  }
0xaa: {  	[dreg:$0x4] =	wrdreg $0xC0  }
0xab: {  	_ =	task [dreg:s6], $0x5FFFF  }
0xac: {  	[dreg:$0x1] =	wrdreg $0xFFFFFFFF  }
0xad: {  	[dreg:$0x0] =	wrdreg $0x60  }
0xae: {  	[dreg:$0x2] =	wrdreg s24  }
0xaf: {  	[dreg:$0x3] =	wrdreg $0x9  }
0xb0: {  	_ =	task.clear_ibuf [dreg:s6], $0x4FFFF;
	_ =	strace $0x90000049  }
0xb1: {  	s29 =	simm.s32 $0x9;
	_ =	strace $0x8000004B  }
0xb2: {  	_ =	swait.ge [sflag:s29], $0x1  }
0xb3: {  	[sflag:s29] =	ssyncadd.s32 $0xFFFFFFFF  }
0xb4: {  	_ =	strace $0x9000004B  }
0xb5: {  	_ =	sfence  }
0xb6: {  	s30 =	sld [smem:$0x0];
	_ =	sdelay $0x2  }
0xb7: {  	s31 =	sshll.u32 s1, $0xD;
	s1 =	sshrl.u32 s1, $0x2  }
0xb8: {  	s3 =	sand.u32 $0x4000, s31;
	s1 =	sadd.s32 s1, s30  }
0xb9: {  	s0 =	sor.u32 s3, s0;
	s1 =	sshll.u32 s1, $0x11  }
0xba: {  	s0 =	sor.u32 s1, s0  }
0xbb: {  	s0 =	sadd.s32 $0x8F2B, s0  }
0xbc: {  	[sflag:s0] =	ssyncadd.remote.s32 $0x1  }
0xbd: {  	_ =	sfence.sel $0xFFFF  }
0xbe: {  	[dreg:$0x0] =	wrdreg $0xFFFFFFFF;
	(pc) =	sbr.abs _section_cstart, $3  }
0xbf: {  	[dreg:$0x1] =	wrdreg $0xFFFFFFFF  }
0xc0: {  	_ =	task.clear_ibuf [dreg:s6], $0x2FFFF;
	_ =	strace $0x9FFFFFFF  }
0xc1: {  	(tm) =	ssettm $0x7FFFFFFF  }
tec
execute0_lowered:
.L_overlay_start_1:
0x0: {  	(tag) =	ssettag $0x1  }
0x1: {  	s7 =	rddreg [dreg:$0x0]  }
0x2: {  	s0 =	rddreg [dreg:$0x1];
	_ =	strace $0x8000004A  }
0x3: {  	s1 =	srdreg.scid;
	s4 =	simm.s32 $0x1;
	s9 =	simm.s32 $0x3  }
0x4: {  	s12 =	simm.s32 $0x0;
	s10 =	simm.s32 $0x0;
	s5 =	sshll.u32 s1, $0x4  }
.Ltmp0:
0x5: {  	s1 =	stileid.u32;
	s5 =	sand.u32 $0x10, s5;
	(pc) =	sbr.rel .LBB2_1-.Ltmp0, $4  }
0x6: {  	s2 =	sadd.s32 $0xA1600, s7;
	s3 =	sadd.s32 $0x10200, s7;
	s6 =	sor.u32 s1, s5  }
0x7: {  	[sflag:s4] =	ssyncpa.u1 $0x0;
	s5 =	simm.s32 $0x2;
	s6 =	sshll.u32 s6, $0x6  }
0x8: {  	s7 =	sadd.s32 $0x10600, s7;
	[sflag:s5] =	ssyncpa.u1 $0x0;
	s8 =	sadd.s32 $0x40, s6  }
0x9: {  	vm0 =	vmmov $0xff;
	vm1 =	vcmask $0x3F20;
	[sflag:s9] =	ssyncpa.u1 $0x0;
	s9 =	simm.s32 $0x40;
	s11 =	smov.u32 s6  }
.LBB2_11:
0xa: {  	p0 =	seq.s32 s10, $0x2  }
.Ltmp1:
0xb: {  	_ = 	snop;
	(pc) =	sbr.rel @p0 .LBB2_13-.Ltmp1, $1  }
0xc: {  	_ =	sdelay $0x3  }
.LBB2_12:
0xd: {  	s12 =	sadd.s32 $0x40, s11  }
0xe: {  	s13 =	smov.u32 s6;
	p0 =	slt.s32 s12, s8  }
0xf: {  	s13 =	smov.u32 @p0 s12  }
0x10: {  	s10 =	sadd.s32 $0x1, s10;
	s12 =	smov.u32 s11;
	s11 =	smov.u32 s13  }
.LBB2_1:
0x11: {  	p0 =	sne.s32 s10, $0x0  }
.Ltmp2:
0x12: {  	_ = 	snop;
	(pc) =	sbr.rel @!p0 .LBB2_2-.Ltmp2, $1  }
0x13: {  	_ =	sdelay $0x3  }
0x14: {  	s13 =	sand.u32 $0x1, s10  }
0x15: {  	p0 =	seq.s32 s13, $0x0  }
.Ltmp3:
0x16: {  	_ = 	snop;
	(pc) =	sbr.rel @p0 .LBB2_11-.Ltmp3, $1  }
0x17: {  	_ =	sdelay $0x3  }
0x18: {  	_ =	swait.ge [sflag:s5], $0x40  }
0x19: {  	[sflag:s5] =	ssyncset.done $0x0  }
0x1a: {  	s13 =	simm.s32 $0x0;
	s14 =	simm.s32 $0x80;
	[sflag:s5] =	ssyncadd.s32 $0xFFFFFFC0  }
.LBB2_5:
0x1b: {  	s15 =	sshll.u32 s13, $0x4  }
0x1c: {  	s15 =	sand.u32 $0x3FFFFFF0, s15  }
0x1d: {  	v0 =	vld.msk [tilespmem:s15+$0x40 ss:$0x1], $0xffff;
	_ =	sdelay $0x4  }
0x1e: {  	vm2 =	vgt.s32 v0, $0x0  }
0x1f: {  	v0 =	vnsel vm2, $0x0, v0  }
0x20: {  	v0 =	vmin.u32 v0, $0x17FF  }
0x21: {  	v1 =	vshrl.u32 v0, $0x3  }
0x22: {  	v0 =	vshll.u32 v0, $0x7;
	v1 =	vmul.u32 $0x1800, v1  }
0x23: {  	v0 =	vand.u32 $0x380, v0  }
0x24: {  	v0 =	vor.u32 v0, v1  }
0x25: {  	v0 =	vshrl.u32 v0, $0x3;
	_ =	sdelay $0x2  }
0x26: {  	s16 =	sadd.s32 $0xFFFFE800, s14  }
0x27: {  	s31 =	sadd.s32 $0xD800, s16;
	s16 =	sadd.s32 $0xF000, s16;
	s15 =	simm.s32 $0xFFFFB000  }
0x28: {  	v1 =	vadd.s32 $0x80, v0;
	[tilespmem:s31], [sflag:$0x1] =	stream.indirect_vreg.gather [hbm:s2], $0x80, v0, vm0, $0x38;
	[tilespmem:$0x18080] =	vst v63  }
.LBB2_6:
0x29: {  	[tilespmem:s16], [sflag:$0x1] =	stream.indirect_vreg.gather [hbm:s2], $0x80, v0, vm1, $0x38;
	[tilespmem:$0x18080] =	vst v63  }
0x2a: {  	v0 =	vmov v1;
	p0 =	sne.s32 s15, $0xFFFFF000  }
.Ltmp4:
0x2b: {  	s16 =	sshra.s32 s15, $0x2;
	(pc) =	sbr.rel @p0 .LBB2_6-.Ltmp4, $4  }
0x2c: {  	s15 =	sadd.s32 $0x1000, s15;
	s16 =	sadd.s32 s16, s14  }
0x2d: {  	s17 =	sadd.s32 $0xD800, s16  }
0x2e: {  	[tilespmem:s17], [sflag:$0x1] =	stream.indirect_vreg.gather [hbm:s2], $0x80, v1, vm0, $0x38;
	[tilespmem:$0x18080] =	vst v63  }
0x2f: {  	s16 =	sadd.s32 $0xF000, s16;
	v1 =	vadd.s32 $0x80, v1  }
0x30: {  	s13 =	sadd.s32 $0x1, s13  }
0x31: {  	p0 =	sne.s32 s13, $0x4  }
.Ltmp5:
0x32: {  	_ = 	snop;
	(pc) =	sbr.rel @p0 .LBB2_5-.Ltmp5, $3  }
0x33: {  	_ =	sdelay $0x1  }
0x34: {  	[tilespmem:s16], [sflag:$0x1] =	stream.indirect_vreg.gather [hbm:s2], $0x80, v0, vm1, $0x38;
	[tilespmem:$0x18080] =	vst v63  }
0x35: {  	s14 =	sadd.s32 $0x3000, s14  }
0x36: {  	s13 =	sshrl.u32 s12, $0x3  }
0x37: {  	s13 =	smul.u32 $0x300, s13  }
0x38: {  	_ =	swait.ge [sflag:s4], $0xC000;
	s31 =	sshll.u32 s12, $0x4  }
0x39: {  	s14 =	simm.s32 $0x300;
	s12 =	sand.u32 $0x70, s31;
	s13 =	sadd.s32 s13, s7  }
0x3a: {  	s15 =	simm.s32 $0xD880;
	[sflag:s4] =	ssyncset.done $0x0;
	s12 =	sadd.s32 s12, s13  }
0x3b: {  	[sflag:s4] =	ssyncadd.s32 $0xFFFF4000;
	s13 =	simm.s32 $0xC080;
	s16 =	sadd.s32 $0x0, s12  }
.LBB2_9:
0x3c: {  	[hbm:s16] =	stream.linear.scatter [tilespmem:s13], [sflag:$0x3], $0x1800, $0x38;
	[tilespmem:$0x18080] =	vst v63  }
0x3d: {  	s16 =	smov.u32 s14;
	s13 =	smov.u32 s15;
	p0 =	sne.s32 s14, $0x1500  }
.Ltmp6:
0x3e: {  	s14 =	sadd.s32 $0x300, s14;
	(pc) =	sbr.rel @p0 .LBB2_9-.Ltmp6, $2  }
0x3f: {  	_ =	sdelay $0x2  }
0x40: {  	s15 =	sadd.s32 $0x1800, s15;
	s16 =	sadd.s32 s16, s12  }
.Ltmp7:
0x41: {  	(pc) =	sbr.rel .LBB2_11-.Ltmp7, $2  }
0x42: {  	_ =	sdelay $0x2  }
0x43: {  	[hbm:s16] =	stream.linear.scatter [tilespmem:s13], [sflag:$0x3], $0x1800, $0x38;
	[tilespmem:$0x18080] =	vst v63  }
.LBB2_2:
.Ltmp8:
0x44: {  	(pc) =	sbr.rel .LBB2_12-.Ltmp8, $4  }
0x45: {  	_ = 	snop  }
0x46: {  	s12 =	sshrl.u32 s11, $0x3  }
0x47: {  	s13 =	sand.u32 $0x7, s11;
	s12 =	sadd.s32 s3, s12  }
0x48: {  	[tilespmem:s9], [sflag:$0x2] =	stream.linear.gather [hbm4b:s12+s13], $0x40, $0x38;
	[tilespmem:$0x18080] =	vst v63  }
.LBB2_13:
0x49: {  	s2 =	simm.s32 $0x3  }
0x4a: {  	_ =	swait.ge [sflag:s2], $0xC000  }
0x4b: {  	[sflag:s2] =	ssyncset.done $0x0  }
0x4c: {  	[sflag:s2] =	ssyncadd.s32 $0xFFFF4000  }
0x4d: {  	_ =	sfence.sel $0x180000  }
0x4e: {  	s3 =	simm.s32 $0x2;
	[bflag:$0x0] =	sbarrier.arrive $0xFFFF  }
0x4f: {  	[sflag:s3] =	ssyncpa.u1 $0x1  }
0x50: {  	s31 =	simm.s32 $0x1;
	[sflag:s2] =	ssyncpa.u1 $0x1  }
0x51: {  	[sflag:s31] =	ssyncpa.u1 $0x1  }
0x52: {  	p0 =	sne.s32 s1, $0x0;
	_ =	strace $0x9000004A  }
0x53: {  	s0 =	sadd.s32 @!p0 $0x100000, s0;
	[bflag:$0x2] =	sbarrier.arrive $0xFFFF  }
0x54: {  	[sflag:s0] =	ssyncadd.tile.s32 @!p0 $0x1;
	_ =	shalt  }
.Lfunc_end2:
_tile_overlayer_lowered:
.L_overlay_start_2:
0x55: {  	(tag) =	ssettag $0x2  }
0x56: {  	s0 =	rddreg [dreg:$0x0];
	s2 =	stileid.u32  }
0x57: {  	s1 =	rddreg [dreg:$0x1];
	p0 =	sne.s32 s2, $0x0  }
0x58: {  	s3 =	rddreg [dreg:$0x2];
	[bflag:$0x3] =	sbarrier.arrive $0xFFFF;
	s2 =	simm.s32 @!p0 $0x1C01  }
0x59: {  	[timem:s3], [sflag:s2] =	dma.local @!p0 [hbm:s0], s1  }
0x5a: {  	s0 =	simm.s32 @!p0 $0x1  }
0x5b: {  	_ =	swait.ge @!p0 [sflag:s0], s1  }
0x5c: {  	s1 =	ssub.s32 @!p0 $0x0, s1;
	[sflag:s0] =	ssyncset.done @!p0 $0x0  }
0x5d: {  	[sflag:s0] =	ssyncadd.s32 @!p0 s1  }
0x5e: {  	[bflag:$0x3] =	sbarrier.arrive $0xFFFF  }
0x5f: {  	_ =	shalt  }

// kernel: kernel.5.cloned.1.call-start
scs
__scs_entry_jumppad:
0x0: {  	(pc) =	sbr.rel $0x88, $3  }
0x1: {  	(tag) =	ssettag $0x0;
	lr =	simm.s32 $0x1  }
0x2: {  	[smem:$0x3F9B] =	sst lr;
	_ =	strace $0xD0000000  }
0x3: {  	_ = 	snop  }
0x4: {  	_ = 	snop  }
0x5: {  	_ = 	snop  }
0x6: {  	_ = 	snop  }
0x7: {  	_ = 	snop  }
__scs_overlays_trampoline_lowered:
0x8: {  	[smem:$0x3FAA] =	sst s0  }
0x9: {  	[smem:$0x3FAB] =	sst s1  }
0xa: {  	[smem:$0x3FAC] =	sst s2  }
0xb: {  	[smem:$0x3FAD] =	sst s3  }
0xc: {  	[smem:$0x3FAE] =	sst s4  }
0xd: {  	[smem:$0x3FAF] =	sst s5  }
0xe: {  	[smem:$0x3FB0] =	sst s6  }
0xf: {  	[smem:$0x3FB1] =	sst s7  }
0x10: {  	[smem:$0x3FB2] =	sst s8  }
0x11: {  	[smem:$0x3FB3] =	sst s9;
	s0 =	simm.s32 @!p0 $0x0  }
0x12: {  	s1 =	sld [smem:$0x3F99];
	s0 =	simm.s32 @p0 $0x1  }
0x13: {  	[smem:$0x3FB4] =	sst s0;
	s0 =	simm.s32 @!p1 $0x0  }
0x14: {  	s2 =	sld [smem:$0x3F98];
	s0 =	simm.s32 @p1 $0x1  }
0x15: {  	[smem:$0x3FB5] =	sst s0;
	s0 =	simm.s32 @!p2 $0x0  }
0x16: {  	s3 =	sld [smem:$0x3FDB];
	s0 =	simm.s32 @p2 $0x1  }
0x17: {  	s4 =	simm.s32 $0x1BF5;
	[smem:$0x3FB7] =	sst s0  }
0x18: {  	s0 =	sld [smem:$0x3F9A];
	_ =	swait.ge [sflag:s4], $0x0  }
0x19: {  	s7 =	sld [smem:$0x3F9B]  }
0x1a: {  	s8 =	sadd.s32 $0xFFFFE003, lr  }
0x1b: {  	s9 =	sadd.s32 $0xFFFFFEF7, lr;
	s5 =	simm.s32 $0xFFFFFFFF;
	p2 =	slt.u32 s8, $0xFFFFF086  }
0x1c: {  	p1 =	slt.u32 s9, $0xF7A;
	s5 =	simm.s32 @!p2 $0x0  }
0x1d: {  	s5 =	simm.s32 @p1 $0x1;
	p0 =	seq.s32 s7, s2  }
0x1e: {  	s7 =	smul.u32 @!p0 $0xF7A, s2;
	p2 =	seq.s32 @!p0 s5, $0x0  }
0x1f: {  	s9 =	smul.u32 $0xF7A, s1;
	s8 =	simm.s32 @!p0 $0x1BF5;
	p2 =	por !p2, p0  }
0x20: {  	[sflag:s8] =	ssyncset.s32 @!p0 $0xFFFFF086;
	s6 =	sadd.s32 @!p0 s3, s7;
	s7 =	simm.s32 @!p0 $0x108  }
0x21: {  	s3 =	sadd.s32 s3, s9;
	s6 =	sadd.s32 @!p0 $0x88, s6;
	s7 =	simm.s32 @p2 $0x1082  }
0x22: {  	[simem:s7], [sflag:s8] =	dma.local @!p0 [hbm:s6], $0xF7A  }
0x23: {  	s9 =	sor.u32 $0xD0000000, s2;
	s6 =	simm.s32 $0x108;
	_ =	swait.ge @!p0 [sflag:s8], $0x0  }
0x24: {  	s3 =	sadd.s32 $0x88, s3;
	s6 =	simm.s32 @!p1 $0x1082;
	[sflag:s4] =	ssyncset.s32 $0xFFFFF086  }
0x25: {  	[simem:s6], [sflag:s4] =	dma.local [hbm:s3], $0xF7A  }
0x26: {  	[smem:$0x3F9B] =	sst s1;
	(tag) =	ssettag s2;
	_ =	strace s9  }
0x27: {  	s1 =	sld [smem:$0x3FAB]  }
0x28: {  	s2 =	sld [smem:$0x3FAC]  }
0x29: {  	s4 =	sld [smem:$0x3FAE]  }
0x2a: {  	p0 =	seq.s32 s5, $0x0;
	s5 =	sld [smem:$0x3FAF]  }
0x2b: {  	s6 =	sld [smem:$0x3FB0]  }
0x2c: {  	s7 =	sld [smem:$0x3FB1]  }
0x2d: {  	s3 =	simm.s32 $0x108;
	s8 =	sld [smem:$0x3FB2]  }
0x2e: {  	s3 =	simm.s32 @!p0 $0x1082;
	s9 =	sld [smem:$0x3FB3]  }
0x2f: {  	lr =	sadd.s32 s0, s3;
	s0 =	sld [smem:$0x3FAA]  }
0x30: {  	s3 =	sld [smem:$0x3FAD]  }
0x31: {  	[smem:$0x3FB6] =	sst s10  }
0x32: {  	s10 =	sld [smem:$0x3FB4];
	_ =	sdelay $0x3  }
0x33: {  	p0 =	seq.s32 s10, $0x1;
	s10 =	sld [smem:$0x3FB6];
	_ =	sdelay $0x3  }
0x34: {  	[smem:$0x3FB6] =	sst s10  }
0x35: {  	s10 =	sld [smem:$0x3FB5];
	_ =	sdelay $0x3  }
0x36: {  	p1 =	seq.s32 s10, $0x1;
	s10 =	sld [smem:$0x3FB6];
	_ =	sdelay $0x3  }
0x37: {  	[smem:$0x3FB6] =	sst s10  }
0x38: {  	s10 =	sld [smem:$0x3FB7]  }
0x39: {  	_ = 	snop;
	(pc) =	sbr.ind lr, $3  }
0x3a: {  	_ = 	snop  }
0x3b: {  	_ = 	snop  }
0x3c: {  	p2 =	seq.s32 s10, $0x1;
	s10 =	sld [smem:$0x3FB6]  }
0x3d: {  	_ =	shalt  }
0x3e: {  	_ =	shalt  }
0x3f: {  	_ =	shalt  }
0x40: {  	_ =	shalt  }
0x41: {  	_ =	shalt  }
0x42: {  	_ =	shalt  }
0x43: {  	_ =	shalt  }
0x44: {  	_ =	shalt  }
0x45: {  	_ =	shalt  }
0x46: {  	_ =	shalt  }
0x47: {  	_ =	shalt  }
0x48: {  	_ =	shalt  }
0x49: {  	_ =	shalt  }
0x4a: {  	_ =	shalt  }
0x4b: {  	_ =	shalt  }
0x4c: {  	_ =	shalt  }
0x4d: {  	_ =	shalt  }
0x4e: {  	_ =	shalt  }
0x4f: {  	_ =	shalt  }
0x50: {  	_ =	shalt  }
0x51: {  	_ =	shalt  }
0x52: {  	_ =	shalt  }
0x53: {  	_ =	shalt  }
0x54: {  	_ =	shalt  }
0x55: {  	_ =	shalt  }
0x56: {  	_ =	shalt  }
0x57: {  	_ =	shalt  }
0x58: {  	_ =	shalt  }
0x59: {  	_ =	shalt  }
0x5a: {  	_ =	shalt  }
0x5b: {  	_ =	shalt  }
0x5c: {  	_ =	shalt  }
0x5d: {  	_ =	shalt  }
0x5e: {  	_ =	shalt  }
0x5f: {  	_ =	shalt  }
0x60: {  	_ =	shalt  }
0x61: {  	_ =	shalt  }
0x62: {  	_ =	shalt  }
0x63: {  	_ =	shalt  }
0x64: {  	_ =	shalt  }
0x65: {  	_ =	shalt  }
0x66: {  	_ =	shalt  }
0x67: {  	_ =	shalt  }
0x68: {  	_ =	shalt  }
0x69: {  	_ =	shalt  }
0x6a: {  	_ =	shalt  }
0x6b: {  	_ =	shalt  }
0x6c: {  	_ =	shalt  }
0x6d: {  	_ =	shalt  }
0x6e: {  	_ =	shalt  }
0x6f: {  	_ =	shalt  }
0x70: {  	_ =	shalt  }
0x71: {  	_ =	shalt  }
0x72: {  	_ =	shalt  }
0x73: {  	_ =	shalt  }
0x74: {  	_ =	shalt  }
0x75: {  	_ =	shalt  }
0x76: {  	_ =	shalt  }
0x77: {  	_ =	shalt  }
0x78: {  	_ =	shalt  }
0x79: {  	_ =	shalt  }
0x7a: {  	_ =	shalt  }
0x7b: {  	_ =	shalt  }
0x7c: {  	_ =	shalt  }
0x7d: {  	_ =	shalt  }
0x7e: {  	_ =	shalt  }
0x7f: {  	_ =	shalt  }
0x80: {  	_ =	shalt  }
0x81: {  	_ =	shalt  }
0x82: {  	_ =	shalt  }
0x83: {  	_ =	shalt  }
0x84: {  	_ =	shalt  }
0x85: {  	_ =	shalt  }
0x86: {  	_ =	shalt  }
0x87: {  	_ =	shalt  }
.Lfunc_end0:
.L_simem_size_0:
called_computation.2_lowered:
.L_overlay_start_0:
0x88: {  	s2 =	sld [smem:$0x3FD9]  }
0x89: {  	s3 =	sld [smem:$0x3FFE];
	_ =	sdelay $0x1  }
0x8a: {  	s1 =	srdreg.scid  }
0x8b: {  	s0 =	sand.u32 $0x1, s1  }
0x8c: {  	s17 =	sshll.u32 s0, $0xA;
	s2 =	sadd.s32 s3, s2  }
0x8d: {  	s2 =	sadd.s32 s2, s17  }
0x8e: {  	[smem:$0x3FC2] =	sst s2  }
0x8f: {  	_ = 	snop  }
0x90: {  	s2 =	sld [smem:$0x3FC9];
	(tm) =	ssettm $0x1  }
0x91: {  	s18 =	sld [smem:$0x3FFB];
	_ =	sdelay $0x3  }
0x92: {  	_ =	strace s18  }
0x93: {  	s3 =	sld [smem:$0x3FFC];
	_ =	sdelay $0x3  }
0x94: {  	_ =	strace s3  }
0x95: {  	s3 =	sld [smem:$0x3FFD];
	_ =	sdelay $0x3  }
0x96: {  	_ =	strace s3  }
0x97: {  	_ =	strace $0x8FFFFFFF  }
0x98: {  	s19 =	sld [smem:$0x3FDB];
	_ =	sdelay $0x1  }
0x99: {  	s4 =	simm.s32 $_scs_section_size  }
0x9a: {  	s5 =	simm.s32 $_size__tile_overlayer_lowered;
	s6 =	simm.s32 $_tile_overlayer_lowered  }
0x9b: {  	s22 =	simm.s32 $0x1BFF;
	s21 =	sshll.u32 s6, $0x1;
	s3 =	sadd.s32 s4, s19  }
0x9c: {  	s7 =	simm.s32 $0x0;
	s20 =	sshll.u32 s5, $0x1;
	s5 =	sadd.s32 s21, s3  }
0x9d: {  	[timem:s7], [sflag:s22] =	dma.local [hbm:s5], s20  }
0x9e: {  	_ =	swait.ge [sflag:s22], s20  }
0x9f: {  	s4 =	ssub.s32 $0x0, s20;
	[sflag:s22] =	ssyncset.done $0x0  }
0xa0: {  	[sflag:s22] =	ssyncadd.s32 s4;
	_ =	sdelay $0x1  }
0xa1: {  	s23 =	simm.s32 $0x1B8B  }
0xa2: {  	_ =	swait.ge [sflag:s23], $0x1  }
0xa3: {  	[sflag:s23] =	ssyncset.done $0x0  }
0xa4: {  	s25 =	simm.s32 $0x1B8E;
	s24 =	sld [smem:$0x3FFE];
	[sflag:s23] =	ssyncadd.s32 $0xFFFFFFFF  }
0xa5: {  	s26 =	simm.s32 $execute0_lowered;
	[smem:$0x3FD2] =	sst s25  }
0xa6: {  	s5 =	sshll.u32 s26, $0x1;
	_ =	strace $0x80000046;
	[dreg:$0x1] =	wrdreg $0xFFFFFFFF  }
0xa7: {  	s28 =	simm.s32 $_size_execute0_lowered;
	s3 =	sadd.s32 s3, s5;
	[dreg:$0x0] =	wrdreg $0x0  }
0xa8: {  	s5 =	sshll.u32 s28, $0x1;
	[dreg:$0x2] =	wrdreg s3  }
0xa9: {  	[dreg:$0x3] =	wrdreg s5  }
0xaa: {  	[dreg:$0x4] =	wrdreg $0xC0  }
0xab: {  	_ =	task [dreg:s7], $0x5FFFF  }
0xac: {  	[dreg:$0x1] =	wrdreg $0xFFFFFFFF  }
0xad: {  	[dreg:$0x0] =	wrdreg $0x60  }
0xae: {  	[dreg:$0x2] =	wrdreg s24  }
0xaf: {  	[dreg:$0x3] =	wrdreg s2  }
0xb0: {  	[dreg:$0x4] =	wrdreg $0x9  }
0xb1: {  	_ =	task.clear_ibuf [dreg:s7], $0x5FFFF;
	_ =	strace $0x90000046  }
0xb2: {  	s29 =	simm.s32 $0x9;
	_ =	strace $0x80000048  }
0xb3: {  	_ =	swait.ge [sflag:s29], $0x1  }
0xb4: {  	[sflag:s29] =	ssyncadd.s32 $0xFFFFFFFF  }
0xb5: {  	_ =	strace $0x90000048  }
0xb6: {  	_ =	sfence  }
0xb7: {  	s30 =	sld [smem:$0x0];
	_ =	sdelay $0x2  }
0xb8: {  	s31 =	sshll.u32 s1, $0xD;
	s1 =	sshrl.u32 s1, $0x2  }
0xb9: {  	s3 =	sand.u32 $0x4000, s31;
	s1 =	sadd.s32 s1, s30  }
0xba: {  	s0 =	sor.u32 s3, s0;
	s1 =	sshll.u32 s1, $0x11  }
0xbb: {  	s0 =	sor.u32 s1, s0  }
0xbc: {  	s0 =	sadd.s32 $0x8F2B, s0  }
0xbd: {  	[sflag:s0] =	ssyncadd.remote.s32 $0x1  }
0xbe: {  	_ =	sfence.sel $0xFFFF  }
0xbf: {  	[dreg:$0x0] =	wrdreg $0xFFFFFFFF;
	(pc) =	sbr.abs _section_cstart, $3  }
0xc0: {  	[dreg:$0x1] =	wrdreg $0xFFFFFFFF  }
0xc1: {  	_ =	task.clear_ibuf [dreg:s7], $0x2FFFF;
	_ =	strace $0x9FFFFFFF  }
0xc2: {  	(tm) =	ssettm $0x7FFFFFFF  }
0xc3: {  	_ =	shalt  }
tec
execute0_lowered:
.L_overlay_start_1:
0x0: {  	(tag) =	ssettag $0x1  }
0x1: {  	s11 =	rddreg [dreg:$0x0]  }
0x2: {  	s2 =	rddreg [dreg:$0x1]  }
0x3: {  	s0 =	rddreg [dreg:$0x2];
	s4 =	srdreg.scid  }
0x4: {  	s1 =	stileid.u32;
	s3 =	simm.s32 $0x0;
	s14 =	simm.s32 $0x2  }
0x5: {  	s15 =	simm.s32 $0x200;
	s16 =	simm.s32 $0x280;
	s17 =	simm.s32 $0xA80  }
0x6: {  	s18 =	simm.s32 $0x1280;
	s19 =	simm.s32 $0x1A80;
	s20 =	simm.s32 $0x2280  }
0x7: {  	s21 =	simm.s32 $0x2A80;
	s22 =	simm.s32 $0x1;
	s23 =	simm.s32 $0x180  }
0x8: {  	s24 =	simm.s32 $0x0;
	s5 =	sand.u32 $0x1, s4;
	s30 =	sshll.u32 s1, $0x1  }
0x9: {  	[smem:$0x7FF] =	sst s3;
	s4 =	sadd.s32 $0x10600, s11;
	p0 =	slt.u32 s1, $0x8  }
0xa: {  	s9 =	sadd.s32 $0x200, s2;
	s10 =	sadd.s32 $0x10700, s11;
	s6 =	sor.u32 s5, s30  }
0xb: {  	_ =	strace $0x80000047;
	s31 =	ssub.s32 $0x2, s5;
	s7 =	sshll.u32 s6, $0x4  }
0xc: {  	s6 =	sshll.u32 s6, $0x7;
	s8 =	sshrl.u32 s31, $0x1;
	s12 =	sadd.s32 s7, s11  }
0xd: {  	v0 =	vimm.s32 $0x0;
	vm0 =	vmmov $0xffff;
	v1 =	vlaneseq.u32;
	s5 =	sadd.s32 $0xFFFFF800, s6;
	s13 =	ssub.s32 s31, s8;
	s8 =	sadd.s32 $0x100, s2  }
0xe: {  	vm1 =	vmmov $0x1;
	vm13 =	vcmask $0xB08;
	v3 =	vshrl.u32 v1, $0x3;
	s11 =	sadd.s32 $0x10800, s11;
	s5 =	smov.u32 @p0 s6;
	s6 =	sadd.s32 $0x10400, s12  }
0xf: {  	v2 =	vand.u32 $0x7, v1;
	v4 =	vor.u32 $0x8, v1;
	v3 =	vmul.u32 $0x8, v3;
	s7 =	sadd.s32 $0x10200, s12;
	s12 =	sadd.s32 $0xA0600, s12;
	s13 =	smax.u32 s13, $0x1  }
.LBB2_1:
0x10: {  	[tilespmem:s3], [sflag:$0x2] =	stream.linear.gather [hbm4b:s6+s3], $0x80, $0x38;
	[tilespmem:$0x3280] =	vst v63  }
0x11: {  	_ =	swait.ge [sflag:s14], $0x80  }
0x12: {  	[sflag:s14] =	ssyncset.done $0x0  }
0x13: {  	[sflag:s14] =	ssyncadd.s32 $0xFFFFFF80  }
0x14: {  	[tilespmem:s15], [sflag:$0x2] =	stream.linear.gather [hbm4b:s7+s3], $0x80, $0x38;
	[tilespmem:$0x3280] =	vst v63  }
0x15: {  	_ =	swait.ge [sflag:s14], $0x80  }
0x16: {  	[sflag:s14] =	ssyncset.done $0x0  }
0x17: {  	s25 =	simm.s32 $0x0;
	[sflag:s14] =	ssyncadd.s32 $0xFFFFFF80  }
0x18: {  	v5 =	vld [tilespmem:s25+$0x0];
	_ =	sdelay $0x4  }
0x19: {  	vm9 =	veq.s32 v5, $0x0  }
0x1a: {  	vm8 =	veq.s32 v5, $0x1;
	v6 =	vsel vm9, $0x1, v0  }
0x1b: {  	vm7 =	veq.s32 v5, $0x2;
	v7 =	vsel vm8, $0x1, v0;
	(xrf0) =	vadd.scan.msk.s32 $0xffff, v6  }
0x1c: {  	vm6 =	veq.s32 v5, $0x3;
	v6 =	vsel vm7, $0x1, v0;
	(xrf0) =	vadd.scan.msk.s32 $0xffff, v7;
	v7 =	vld [tilespmem:$0x200]  }
0x1d: {  	vm4 =	veq.s32 v5, $0x5;
	vm2 =	veq.s32 v5, $0x7;
	v8 =	vsel vm6, $0x1, v0;
	(xrf0) =	vadd.scan.msk.s32 $0xffff, v6  }
0x1e: {  	v6 =	vsel vm4, $0x1, v0;
	(xrf0) =	vadd.scan.msk.s32 $0xffff, v8;
	v8 =	vsel vm2, $0x1, v0  }
0x1f: {  	vm10 =	vcmask $0x308;
	vm11 =	vcmask $0x704;
	vm5 =	veq.s32 v5, $0x4;
	(xrf0) =	vadd.scan.msk.s32 $0xffff, v6  }
0x20: {  	vm12 =	vcmask $0x70C;
	vm3 =	veq.s32 v5, $0x6;
	v6 =	vsel vm5, $0x1, v0;
	(xrf0) =	vadd.scan.msk.s32 $0xffff, v8  }
0x21: {  	vm14 =	vcmask $0xB10;
	v5 =	vsel vm3, $0x1, v0;
	v8, _, _ =	vpop (xrf0);
	(xrf0) =	vadd.scan.msk.s32 $0xffff, v6;
	v6 =	vnsel vm1, $0x0, v7  }
0x22: {  	vm15 =	vcmask $0xF0C;
	v16 =	vsel vm9, $0xFFFFFFFF, v0;
	v9, _, _ =	vpop (xrf0);
	(xrf0) =	vadd.scan.msk.s32 $0xffff, v5;
	v5 =	vbroadcast v8, $0xF  }
0x23: {  	v37 =	vsel vm8, $0xFFFFFFFF, v0;
	v44 =	vsel vm7, $0xFFFFFFFF, v0;
	v45 =	vsel vm6, $0xFFFFFFFF, v0  }
0x24: {  	v8 =	vadd.s32 v16, v8;
	(xrf0) =	vadd.scan.msk.s32 $0xffff, v6;
	v12 =	vbroadcast v9, $0xF;
	v6, _, _ =	vpop (xrf0);
	v5 =	vnsel vm1, $0x0, v5  }
0x25: {  	v9 =	vadd.s32 v37, v9;
	v10, _, _ =	vpop (xrf0);
	v5 =	vadd.s32 v7, v5;
	v15 =	vbroadcast v6, $0xF  }
0x26: {  	v12 =	vnsel vm11, $0x0, v12;
	vm11 =	vcmask $0x1310;
	v6 =	vadd.s32 v44, v6;
	v11, _, _ =	vpop (xrf0)  }
0x27: {  	v13 =	vsel vm10, $0x0, v5;
	v5 =	vadd.s32 v12, v5;
	v7, _, _ =	vpop (xrf0);
	v31 =	vnsel vm13, $0x0, v15  }
0x28: {  	v34 =	vbroadcast v10, $0xF;
	(xrf0) =	vadd.scan.msk.s32 $0xffff, v13;
	v33 =	vsel vm12, $0x0, v5;
	v14, _, _ =	vpop (xrf0);
	v5 =	vadd.s32 v31, v5  }
0x29: {  	vm10 =	vcmask $0xF14;
	v10 =	vadd.s32 v45, v10;
	v30, _, _ =	vpop (xrf0);
	v35 =	vsel vm14, $0x0, v5;
	(xrf0) =	vadd.scan.msk.s32 $0xffff, v33  }
0x2a: {  	v38 =	vbroadcast v11, $0xF;
	vm12 =	vcmask $0x1318;
	v12 =	vnsel vm15, $0x0, v34;
	(xrf0) =	vadd.scan.msk.s32 $0xffff, v35  }
0x2b: {  	vm15 =	vcmask $0x171C;
	v36 =	vbroadcast v14, $0xF;
	v5 =	vadd.s32 v12, v5  }
0x2c: {  	vm14 =	vcmask $0x1714;
	v17, _, _ =	vpop (xrf0);
	v41 =	vsel vm10, $0x0, v5;
	v42 =	vbroadcast v30, $0xF  }
0x2d: {  	vm10 =	vcmask $0x1B20;
	v32 =	vbroadcast v17, $0xF;
	v39 =	vnsel vm11, $0x0, v36  }
0x2e: {  	v17 =	vnsel vm14, $0x0, v38;
	vm11 =	vcmask $0x1B18;
	v5 =	vadd.s32 v39, v5;
	v18, _, _ =	vpop (xrf0)  }
0x2f: {  	(xrf0) =	vadd.scan.msk.s32 $0xffff, v41;
	v12 =	vnsel vm11, $0x0, v42;
	v8 =	vadd.s32 v32, v8;
	v40 =	vbroadcast v18, $0xF;
	v46, _, _ =	vpop (xrf0)  }
0x30: {  	v43 =	vsel vm12, $0x0, v5;
	v5 =	vadd.s32 v17, v5;
	v16 =	vbroadcast v46, $0xF;
	v47, _, _ =	vpop (xrf0)  }
0x31: {  	v8 =	vnsel vm9, $0x0, v8;
	v9 =	vadd.s32 v40, v9;
	v48 =	vbroadcast v47, $0xF  }
0x32: {  	(xrf0) =	vadd.scan.msk.s32 $0xffff, v43;
	v17 =	vsel vm15, $0x0, v5;
	v8 =	vsel vm8, v9, v8;
	v6 =	vadd.s32 v16, v6  }
0x33: {  	v5 =	vadd.s32 v12, v5;
	v6 =	vsel vm7, v6, v8;
	v8 =	vadd.s32 v48, v10  }
0x34: {  	v50 =	vor.u32 s5, v1;
	(xrf0) =	vadd.scan.msk.s32 $0xffff, v17;
	v6 =	vsel vm6, v8, v6;
	v8 =	vsel vm10, $0x0, v5  }
0x35: {  	v53 =	vshrl.u32 v50, $0x3;
	v55 =	vand.u32 $0x7, v50;
	v49, _, _ =	vpop (xrf0);
	(xrf0) =	vadd.scan.msk.s32 $0xffff, v8  }
0x36: {  	v52 =	vsel vm4, $0xFFFFFFFF, v0;
	v9 =	vbroadcast v49, $0xF;
	v8 =	vsel vm5, $0xFFFFFFFF, v0  }
0x37: {  	v57 =	vsel vm3, $0xFFFFFFFF, v0;
	v61 =	vsel vm2, $0xFFFFFFFF, v0;
	v8 =	vadd.s32 v8, v14  }
0x38: {  	v59 =	vbroadcast v7, $0xF;
	vm12 =	vcmask $0x1F1C;
	v51, _, _ =	vpop (xrf0);
	v8 =	vadd.s32 v9, v8  }
0x39: {  	v12 =	vbroadcast v51, $0xF;
	v6 =	vsel vm5, v8, v6;
	v8 =	vmul.u32 $0x30, v53  }
0x3a: {  	v11 =	vadd.s32 v52, v11;
	v7 =	vadd.s32 v61, v7;
	v62 =	vnsel vm12, $0x0, v59;
	v56, _, _ =	vpop (xrf0)  }
0x3b: {  	v54 =	vadd.s32 v12, v11;
	v11 =	vbroadcast v56, $0xF;
	v8 =	vor.u32 v55, v8;
	v60, _, _ =	vpop (xrf0)  }
0x3c: {  	v9 =	vadd.s32 v57, v30;
	v58 =	vperm.xlane v8, v2;
	v13 =	vbroadcast v60, $0xF  }
0x3d: {  	v5 =	vadd.s32 v62, v5;
	v6 =	vsel vm4, v54, v6;
	v9 =	vadd.s32 v11, v9  }
0x3e: {  	v6 =	vsel vm3, v9, v6;
	v63 =	vadd.s32 v3, v58;
	v7 =	vadd.s32 v13, v7  }
0x3f: {  	[tilespmem:$0x200] =	vst v5;
	v6 =	vsel vm2, v7, v6  }
0x40: {  	[tilespmem:$0x100] =	vst v6  }
0x41: {  	[tilespmem:s25+$0x180] =	vst v6  }
0x42: {  	v5 =	vperm.xlane v8, v4;
	[tilespmem:$0x80] =	vst v50  }
0x43: {  	[tilespmem:s16], [sflag:$0x1] =	stream.indirect_vreg.gather [hbm4b:s2+s3], $0x80, v63, vm0, $0xb8;
	[tilespmem:$0x3280] =	vst v63  }
0x44: {  	v5 =	vadd.s32 v3, v5  }
0x45: {  	[tilespmem:s17], [sflag:$0x1] =	stream.indirect_vreg.gather [hbm4b:s8+s3], $0x80, v63, vm0, $0xb8;
	[tilespmem:$0x3280] =	vst v63  }
0x46: {  	_ = 	snop  }
0x47: {  	[tilespmem:s18], [sflag:$0x1] =	stream.indirect_vreg.gather [hbm4b:s9+s3], $0x80, v63, vm0, $0xb8;
	[tilespmem:$0x3280] =	vst v63  }
0x48: {  	_ = 	snop  }
0x49: {  	[tilespmem:s19], [sflag:$0x1] =	stream.indirect_vreg.gather [hbm4b:s2+s3], $0x80, v5, vm0, $0xb8;
	[tilespmem:$0x3280] =	vst v63  }
0x4a: {  	_ = 	snop  }
0x4b: {  	[tilespmem:s20], [sflag:$0x1] =	stream.indirect_vreg.gather [hbm4b:s8+s3], $0x80, v5, vm0, $0xb8;
	[tilespmem:$0x3280] =	vst v63  }
0x4c: {  	_ = 	snop  }
0x4d: {  	[tilespmem:s21], [sflag:$0x1] =	stream.indirect_vreg.gather [hbm4b:s9+s3], $0x80, v5, vm0, $0xb8;
	[tilespmem:$0x3280] =	vst v63  }
0x4e: {  	_ =	swait.ge [sflag:s22], $0x3000  }
0x4f: {  	[sflag:s22] =	ssyncset.done $0x0  }
0x50: {  	[sflag:s22] =	ssyncadd.s32 $0xFFFFD000  }
0x51: {  	v5 =	vld [tilespmem:$0x100];
	_ =	sdelay $0x4  }
0x52: {  	v6 =	vshrl.u32 v5, $0x3  }
0x53: {  	v6 =	vmul.u32 $0x30, v6  }
0x54: {  	v5 =	vand.u32 $0x7, v5  }
0x55: {  	v5 =	vor.u32 v5, v6  }
0x56: {  	v7 =	vperm.xlane v5, v2;
	_ =	sdelay $0x1  }
0x57: {  	s26 =	smov.u32 s5;
	s25 =	simm.s32 $0x40;
	v6 =	vperm.xlane v5, v4;
	v5 =	vadd.s32 v3, v7  }
.LBB2_2:
0x58: {  	_ = 	snop  }
0x59: {  	p0 =	sne.s32 s25, $0x1C0  }
0x5a: {  	s26 =	sadd.s32 $0x10, s26;
	s28 =	smov.u32 s25;
	s25 =	sadd.s32 $0x40, s25  }
0x5b: {  	_ = 	snop  }
0x5c: {  	[hbm4b:s4+s3] =	stream.indirect_vreg.scatter [tilespmem:s16], [sflag:$0x1], $0x80, v5, vm0, $0xb8;
	[tilespmem:$0x3280] =	vst v63  }
0x5d: {  	v6 =	vadd.s32 v3, v6  }
0x5e: {  	[hbm4b:s10+s3] =	stream.indirect_vreg.scatter [tilespmem:s17], [sflag:$0x1], $0x80, v5, vm0, $0xb8;
	[tilespmem:$0x3280] =	vst v63  }
0x5f: {  	_ = 	snop  }
0x60: {  	[hbm4b:s11+s3] =	stream.indirect_vreg.scatter [tilespmem:s18], [sflag:$0x1], $0x80, v5, vm0, $0xb8;
	[tilespmem:$0x3280] =	vst v63  }
0x61: {  	_ = 	snop  }
0x62: {  	[hbm4b:s4+s3] =	stream.indirect_vreg.scatter [tilespmem:s19], [sflag:$0x1], $0x80, v6, vm0, $0xb8;
	[tilespmem:$0x3280] =	vst v63  }
0x63: {  	_ = 	snop  }
0x64: {  	[hbm4b:s10+s3] =	stream.indirect_vreg.scatter [tilespmem:s20], [sflag:$0x1], $0x80, v6, vm0, $0xb8;
	[tilespmem:$0x3280] =	vst v63  }
0x65: {  	_ = 	snop  }
0x66: {  	[hbm4b:s11+s3] =	stream.indirect_vreg.scatter [tilespmem:s21], [sflag:$0x1], $0x80, v6, vm0, $0xb8;
	[tilespmem:$0x3280] =	vst v63  }
0x67: {  	s28 =	sshra.s32 s28, $0x2;
	_ =	swait.ge [sflag:s22], $0x3000  }
0x68: {  	v5 =	vor.u32 s26, v1;
	[sflag:s22] =	ssyncset.done $0x0  }
0x69: {  	[sflag:s22] =	ssyncadd.s32 $0xFFFFD000  }
0x6a: {  	v8 =	vld [tilespmem:s28+$0x0]  }
0x6b: {  	v6 =	vshrl.u32 v5, $0x3;
	v9 =	vld [tilespmem:$0x200]  }
0x6c: {  	v6 =	vmul.u32 $0x30, v6  }
0x6d: {  	v7 =	vand.u32 $0x7, v5  }
0x6e: {  	v6 =	vor.u32 v7, v6  }
0x6f: {  	vm9 =	veq.s32 v8, $0x0;
	vm8 =	veq.s32 v8, $0x1;
	vm7 =	veq.s32 v8, $0x2  }
0x70: {  	vm6 =	veq.s32 v8, $0x3;
	v7 =	vsel vm9, $0x1, v0;
	v10 =	vnsel vm1, $0x0, v9  }
0x71: {  	v11 =	vsel vm8, $0x1, v0;
	v12 =	vsel vm7, $0x1, v0;
	v13 =	vsel vm6, $0x1, v0;
	(xrf0) =	vadd.scan.msk.s32 $0xffff, v7  }
0x72: {  	v7 =	vperm.xlane v6, v2;
	v6 =	vperm.xlane v6, v4;
	(xrf0) =	vadd.scan.msk.s32 $0xffff, v11  }
0x73: {  	vm3 =	veq.s32 v8, $0x5;
	(xrf0) =	vadd.scan.msk.s32 $0xffff, v12  }
0x74: {  	vm5 =	veq.s32 v8, $0x4;
	vm2 =	veq.s32 v8, $0x7;
	v11 =	vsel vm3, $0x1, v0;
	(xrf0) =	vadd.scan.msk.s32 $0xffff, v13  }
0x75: {  	vm4 =	veq.s32 v8, $0x6;
	v8 =	vsel vm2, $0x1, v0;
	v12 =	vsel vm5, $0x1, v0;
	(xrf0) =	vadd.scan.msk.s32 $0xffff, v11  }
0x76: {  	v11 =	vsel vm4, $0x1, v0;
	(xrf0) =	vadd.scan.msk.s32 $0xffff, v8  }
0x77: {  	vm14 =	vcmask $0x704;
	v13 =	vsel vm2, $0xFFFFFFFF, v0;
	v8 =	vsel vm3, $0xFFFFFFFF, v0;
	v14, _, _ =	vpop (xrf0);
	(xrf0) =	vadd.scan.msk.s32 $0xffff, v12  }
0x78: {  	v15 =	vsel vm7, $0xFFFFFFFF, v0;
	v16 =	vsel vm6, $0xFFFFFFFF, v0;
	v12 =	vbroadcast v14, $0xF;
	v17, _, _ =	vpop (xrf0);
	(xrf0) =	vadd.scan.msk.s32 $0xffff, v11  }
0x79: {  	v18 =	vsel vm8, $0xFFFFFFFF, v0;
	v11 =	vsel vm9, $0xFFFFFFFF, v0;
	v19 =	vbroadcast v17, $0xF;
	(xrf0) =	vadd.scan.msk.s32 $0xffff, v10;
	v10, _, _ =	vpop (xrf0)  }
0x7a: {  	v11 =	vadd.s32 v11, v14;
	v12 =	vnsel vm1, $0x0, v12;
	v23 =	vbroadcast v10, $0xF  }
0x7b: {  	v9 =	vadd.s32 v9, v12;
	v12 =	vnsel vm14, $0x0, v19;
	vm14 =	vcmask $0x308  }
0x7c: {  	v20, _, _ =	vpop (xrf0);
	v24 =	vsel vm14, $0x0, v9;
	v9 =	vadd.s32 v12, v9;
	vm14 =	vcmask $0x70C  }
0x7d: {  	v19 =	vbroadcast v20, $0xF;
	v21, _, _ =	vpop (xrf0);
	v12 =	vnsel vm13, $0x0, v23;
	v27 =	vsel vm14, $0x0, v9  }
0x7e: {  	v14, _, _ =	vpop (xrf0);
	v9 =	vadd.s32 v12, v9;
	v12 =	vbroadcast v21, $0xF;
	vm14 =	vcmask $0xB10  }
0x7f: {  	(xrf0) =	vadd.scan.msk.s32 $0xffff, v24;
	v22, _, _ =	vpop (xrf0);
	v26 =	vbroadcast v14, $0xF;
	v24 =	vsel vm14, $0x0, v9;
	vm14 =	vcmask $0xF0C  }
0x80: {  	v25 =	vbroadcast v22, $0xF;
	(xrf0) =	vadd.scan.msk.s32 $0xffff, v27;
	v23, _, _ =	vpop (xrf0);
	v19 =	vnsel vm14, $0x0, v19;
	vm14 =	vcmask $0x1714  }
0x81: {  	v27 =	vbroadcast v23, $0xF;
	v28, _, _ =	vpop (xrf0);
	v12 =	vnsel vm14, $0x0, v12  }
0x82: {  	(xrf0) =	vadd.scan.msk.s32 $0xffff, v24;
	v24 =	vbroadcast v28, $0xF;
	v9 =	vadd.s32 v19, v9;
	vm14 =	vcmask $0x1310  }
0x83: {  	v19 =	vnsel vm14, $0x0, v25;
	vm14 =	vcmask $0xF14;
	v28 =	vnsel vm11, $0x0, v27  }
0x84: {  	v25 =	vsel vm14, $0x0, v9;
	v9 =	vadd.s32 v19, v9;
	vm14 =	vcmask $0x1318  }
0x85: {  	v27 =	vsel vm14, $0x0, v9;
	v9 =	vadd.s32 v12, v9;
	v12 =	vnsel vm12, $0x0, v26;
	(xrf0) =	vadd.scan.msk.s32 $0xffff, v25  }
0x86: {  	v11 =	vadd.s32 v24, v11;
	v24 =	vsel vm15, $0x0, v9;
	v9 =	vadd.s32 v28, v9;
	v19, _, _ =	vpop (xrf0);
	(xrf0) =	vadd.scan.msk.s32 $0xffff, v27  }
0x87: {  	v11 =	vnsel vm9, $0x0, v11;
	v19 =	vbroadcast v19, $0xF;
	v25 =	vsel vm10, $0x0, v9;
	v26, _, _ =	vpop (xrf0);
	(xrf0) =	vadd.scan.msk.s32 $0xffff, v24  }
0x88: {  	v17 =	vadd.s32 v18, v17;
	v9 =	vadd.s32 v12, v9;
	v18 =	vbroadcast v26, $0xF;
	v12, _, _ =	vpop (xrf0);
	(xrf0) =	vadd.scan.msk.s32 $0xffff, v25  }
0x89: {  	v10 =	vadd.s32 v15, v10;
	v17 =	vadd.s32 v19, v17;
	v12 =	vbroadcast v12, $0xF  }
0x8a: {  	v11 =	vsel vm8, v17, v11;
	v10 =	vadd.s32 v18, v10;
	v17 =	vadd.s32 v16, v20  }
0x8b: {  	v10 =	vsel vm7, v10, v11;
	v11 =	vadd.s32 v12, v17;
	v12 =	vsel vm4, $0xFFFFFFFF, v0;
	v15, _, _ =	vpop (xrf0)  }
0x8c: {  	v10 =	vsel vm6, v11, v10;
	v11 =	vsel vm5, $0xFFFFFFFF, v0;
	v15 =	vbroadcast v15, $0xF;
	v16, _, _ =	vpop (xrf0)  }
0x8d: {  	v8 =	vadd.s32 v8, v21;
	v11 =	vadd.s32 v11, v22;
	v16 =	vbroadcast v16, $0xF;
	v17, _, _ =	vpop (xrf0)  }
0x8e: {  	v12 =	vadd.s32 v12, v23;
	v11 =	vadd.s32 v15, v11;
	v15 =	vbroadcast v17, $0xF;
	v17, _, _ =	vpop (xrf0)  }
0x8f: {  	v10 =	vsel vm5, v11, v10;
	v8 =	vadd.s32 v16, v8;
	v11 =	vbroadcast v17, $0xF  }
0x90: {  	v8 =	vsel vm3, v8, v10;
	v10 =	vadd.s32 v15, v12;
	v12 =	vadd.s32 v13, v14  }
0x91: {  	v7 =	vadd.s32 v3, v7;
	v8 =	vsel vm4, v10, v8;
	v10 =	vadd.s32 v11, v12  }
0x92: {  	v8 =	vsel vm2, v10, v8;
	[tilespmem:$0x200] =	vst v9  }
0x93: {  	[tilespmem:$0x100] =	vst v8  }
0x94: {  	[tilespmem:s28+$0x180] =	vst v8  }
0x95: {  	[tilespmem:$0x80] =	vst v5  }
0x96: {  	[tilespmem:s16], [sflag:$0x1] =	stream.indirect_vreg.gather [hbm4b:s2+s3], $0x80, v7, vm0, $0xb8;
	[tilespmem:$0x3280] =	vst v63  }
0x97: {  	v5 =	vadd.s32 v3, v6  }
0x98: {  	[tilespmem:s17], [sflag:$0x1] =	stream.indirect_vreg.gather [hbm4b:s8+s3], $0x80, v7, vm0, $0xb8;
	[tilespmem:$0x3280] =	vst v63  }
0x99: {  	_ = 	snop  }
0x9a: {  	[tilespmem:s18], [sflag:$0x1] =	stream.indirect_vreg.gather [hbm4b:s9+s3], $0x80, v7, vm0, $0xb8;
	[tilespmem:$0x3280] =	vst v63  }
0x9b: {  	_ = 	snop  }
0x9c: {  	[tilespmem:s19], [sflag:$0x1] =	stream.indirect_vreg.gather [hbm4b:s2+s3], $0x80, v5, vm0, $0xb8;
	[tilespmem:$0x3280] =	vst v63  }
0x9d: {  	_ = 	snop  }
0x9e: {  	[tilespmem:s20], [sflag:$0x1] =	stream.indirect_vreg.gather [hbm4b:s8+s3], $0x80, v5, vm0, $0xb8;
	[tilespmem:$0x3280] =	vst v63  }
0x9f: {  	_ = 	snop  }
0xa0: {  	[tilespmem:s21], [sflag:$0x1] =	stream.indirect_vreg.gather [hbm4b:s9+s3], $0x80, v5, vm0, $0xb8;
	[tilespmem:$0x3280] =	vst v63  }
0xa1: {  	_ =	swait.ge [sflag:s22], $0x3000  }
0xa2: {  	[sflag:s22] =	ssyncset.done $0x0  }
0xa3: {  	[sflag:s22] =	ssyncadd.s32 $0xFFFFD000  }
0xa4: {  	v5 =	vld [tilespmem:$0x100];
	_ =	sdelay $0x4  }
0xa5: {  	v6 =	vshrl.u32 v5, $0x3  }
0xa6: {  	v6 =	vmul.u32 $0x30, v6  }
.Ltmp0:
0xa7: {  	v5 =	vand.u32 $0x7, v5;
	(pc) =	sbr.rel @p0 .LBB2_2-.Ltmp0, $3  }
0xa8: {  	v5 =	vor.u32 v5, v6  }
0xa9: {  	v7 =	vperm.xlane v5, v2;
	v6 =	vperm.xlane v5, v4;
	_ =	sdelay $0x1  }
0xaa: {  	v5 =	vadd.s32 v3, v7  }
0xab: {  	_ =	sdelay $0x3  }
0xac: {  	[hbm4b:s4+s3] =	stream.indirect_vreg.scatter [tilespmem:s16], [sflag:$0x1], $0x80, v5, vm0, $0xb8;
	[tilespmem:$0x3280] =	vst v63  }
0xad: {  	v6 =	vadd.s32 v3, v6  }
0xae: {  	[hbm4b:s10+s3] =	stream.indirect_vreg.scatter [tilespmem:s17], [sflag:$0x1], $0x80, v5, vm0, $0xb8;
	[tilespmem:$0x3280] =	vst v63  }
0xaf: {  	_ = 	snop  }
0xb0: {  	[hbm4b:s11+s3] =	stream.indirect_vreg.scatter [tilespmem:s18], [sflag:$0x1], $0x80, v5, vm0, $0xb8;
	[tilespmem:$0x3280] =	vst v63  }
0xb1: {  	_ = 	snop  }
0xb2: {  	[hbm4b:s4+s3] =	stream.indirect_vreg.scatter [tilespmem:s19], [sflag:$0x1], $0x80, v6, vm0, $0xb8;
	[tilespmem:$0x3280] =	vst v63  }
0xb3: {  	_ = 	snop  }
0xb4: {  	[hbm4b:s10+s3] =	stream.indirect_vreg.scatter [tilespmem:s20], [sflag:$0x1], $0x80, v6, vm0, $0xb8;
	[tilespmem:$0x3280] =	vst v63  }
0xb5: {  	_ = 	snop  }
0xb6: {  	[hbm4b:s11+s3] =	stream.indirect_vreg.scatter [tilespmem:s21], [sflag:$0x1], $0x80, v6, vm0, $0xb8;
	[tilespmem:$0x3280] =	vst v63  }
0xb7: {  	s24 =	sadd.s32 $0x1, s24;
	_ =	swait.ge [sflag:s22], $0x3000  }
0xb8: {  	p0 =	sne.s32 s24, s13;
	[sflag:s22] =	ssyncset.done $0x0  }
.Ltmp1:
0xb9: {  	[sflag:s22] =	ssyncadd.s32 $0xFFFFD000;
	(pc) =	sbr.rel @p0 .LBB2_1-.Ltmp1, $4  }
0xba: {  	[hbm4b:s12+s3] =	stream.linear.scatter [tilespmem:s23], [sflag:$0x2], $0x80, $0x38;
	[tilespmem:$0x3280] =	vst v63  }
0xbb: {  	_ =	swait.ge [sflag:s14], $0x80  }
0xbc: {  	[sflag:s14] =	ssyncset.done $0x0  }
0xbd: {  	[sflag:s14] =	ssyncadd.s32 $0xFFFFFF80  }
0xbe: {  	_ =	sfence.sel $0x180000  }
0xbf: {  	[bflag:$0x0] =	sbarrier.arrive $0xFFFF  }
0xc0: {  	p0 =	sne.s32 s1, $0x0;
	_ =	strace $0x90000047  }
0xc1: {  	s0 =	sadd.s32 @!p0 $0x100000, s0;
	[bflag:$0x2] =	sbarrier.arrive $0xFFFF  }
0xc2: {  	[sflag:s0] =	ssyncadd.tile.s32 @!p0 $0x1;
	_ =	shalt  }
.Lfunc_end2:
_tile_overlayer_lowered:
.L_overlay_start_2:
0xc3: {  	(tag) =	ssettag $0x2  }
0xc4: {  	s0 =	rddreg [dreg:$0x0];
	s2 =	stileid.u32  }
0xc5: {  	s1 =	rddreg [dreg:$0x1];
	p0 =	sne.s32 s2, $0x0  }
0xc6: {  	s3 =	rddreg [dreg:$0x2];
	[bflag:$0x3] =	sbarrier.arrive $0xFFFF;
	s2 =	simm.s32 @!p0 $0x1C02  }
0xc7: {  	[timem:s3], [sflag:s2] =	dma.local @!p0 [hbm:s0], s1  }
0xc8: {  	s0 =	simm.s32 @!p0 $0x2  }
0xc9: {  	_ =	swait.ge @!p0 [sflag:s0], s1  }
0xca: {  	s1 =	ssub.s32 @!p0 $0x0, s1;
	[sflag:s0] =	ssyncset.done @!p0 $0x0  }
0xcb: {  	[sflag:s0] =	ssyncadd.s32 @!p0 s1  }
0xcc: {  	[bflag:$0x3] =	sbarrier.arrive $0xFFFF  }
0xcd: {  	_ =	shalt  }

</sc_bundles>
